<compile_context>
chip_gen: v7x
topology: tpu7x:2x2x1
jax: 0.10.2.dev20260603
libtpu: 0.0.44.dev20260713+nightly
codegen_flags: <defaults>
</compile_context>

<pallas_src>
import functools

import jax
import jax.numpy as jnp
from jax import lax
from jax.experimental import pallas as pl
from jax.experimental.pallas import tpu as pltpu
from jax.experimental.pallas import tpu_sc as plsc

_EPS = 1e-5
_NC = 2
_NS = 16
_NW = _NC * _NS
_L = 16
_D = 128
_BUF = 256
_NBUF = 2


def _ln_body(t_ref, g_ref, b_ref, o_ref):
    t = t_ref[...]
    mean = jnp.mean(t, axis=1, keepdims=True)
    var = jnp.mean((t - mean) ** 2, axis=1, keepdims=True)
    o_ref[...] = (t - mean) * lax.rsqrt(var + _EPS) * g_ref[...] + b_ref[...]


def _make_sc_gather(n):
    rw = n // _NW
    steps = rw // _BUF
    groups = _BUF // _L
    mesh = plsc.VectorSubcoreMesh(core_axis_name="c", subcore_axis_name="s")

    @functools.partial(
        pl.kernel,
        out_type=jax.ShapeDtypeStruct((n * _D,), jnp.float32),
        mesh=mesh,
        compiler_params=pltpu.CompilerParams(needs_layout_passes=False),
        scratch_types=[
            pltpu.VMEM((16 * _D,), jnp.float32),
            pltpu.VMEM((rw,), jnp.int32),
            pltpu.VMEM((_BUF * _D,), jnp.float32),
            pltpu.VMEM((_BUF * _D,), jnp.float32),
            pltpu.SemaphoreType.DMA,
        ],
    )
    def sc_gather(nt_hbm, idx_hbm, out_hbm, nt_v, idx_v, buf0_v, buf1_v, ssem):
        bufs = [buf0_v, buf1_v]
        wid = lax.axis_index("s") * _NC + lax.axis_index("c")
        base = wid * rw
        pltpu.sync_copy(nt_hbm, nt_v)
        pltpu.sync_copy(idx_hbm.at[pl.ds(base, rw)], idx_v)

        lane_iota = lax.broadcasted_iota(jnp.int32, (_L,), 0)
        lane_off = lane_iota * _D

        def construct(step, b):
            @plsc.parallel_loop(0, groups * _L, unroll=4)
            def grp_body(i):
                g = lax.shift_right_logical(i, 4)
                j = jnp.bitwise_and(i, _L - 1)
                idx16 = idx_v[pl.ds(step * _BUF + g * _L, _L)]
                gbase = lax.shift_left(idx16, 7)
                sbase = lane_off + g * (_L * _D)
                perm = jnp.bitwise_and(lane_iota + j, _L - 1)
                for m in range(_D // _L):
                    o = perm + (_L * m)
                    v = plsc.load_gather(nt_v, [gbase + o])
                    plsc.store_scatter(bufs[b], [sbase + o], v)

        def fire_store(step, b):
            pltpu.async_copy(
                bufs[b],
                out_hbm.at[pl.ds((base + step * _BUF) * _D, _BUF * _D)],
                ssem,
            )

        def wait_store(step, b):
            pltpu.make_async_copy(
                bufs[b],
                out_hbm.at[pl.ds((base + step * _BUF) * _D, _BUF * _D)],
                ssem,
            ).wait()

        def body(go, carry):
            for b in range(_NBUF):
                step = go * _NBUF + b

                @pl.when(step >= _NBUF)
                def _():
                    wait_store(step - _NBUF, b)

                construct(step, b)
                fire_store(step, b)
            return carry

        lax.fori_loop(0, steps // _NBUF, body, 0)
        wait_store(steps - 2, (steps - 2) % _NBUF)
        wait_store(steps - 1, (steps - 1) % _NBUF)

    return sc_gather


def kernel(grid, table, gamma, beta):
    batch, h, w = grid.shape
    v, d = table.shape
    n = batch * h * w

    tpad = jnp.zeros((16, d), jnp.float32).at[:v].set(table.astype(jnp.float32))
    nt = pl.pallas_call(
        _ln_body,
        out_shape=jax.ShapeDtypeStruct((16, d), jnp.float32),
    )(tpad, gamma.reshape(1, d), beta.reshape(1, d))

    idx = grid.reshape(n).astype(jnp.int32)
    out = _make_sc_gather(n)(nt.reshape(16 * d), idx)
    return out.reshape(batch, h * w, d)

# --- scband reference (transcript-rebuilt; emitter-appended) ---
"""Pipeline reference for scband-grid-embedding-2877628088556 (READ-ONLY COPY).

The authoritative reference and input builder live on the scoring server;
editing this copy changes nothing except your own understanding.
"""

import jax, jax.numpy as jnp
import numpy as np

HIDDEN_DIM = 128
NUM_COLORS = 10
BATCH = 1024
H = 32
W = 32
EPS = 1e-5


def setup_inputs(seed: int = 0) -> dict:
    key = jax.random.key(seed)
    k1, k2, k3, k4 = jax.random.split(key, 4)
    grid = jax.random.randint(k1, (BATCH, H, W), 0, NUM_COLORS, dtype=jnp.int64 if jax.config.jax_enable_x64 else jnp.int32)
    table = jax.random.normal(k2, (NUM_COLORS, HIDDEN_DIM), dtype=jnp.float32)
    gamma = jnp.ones((HIDDEN_DIM,), dtype=jnp.float32)
    beta = jnp.zeros((HIDDEN_DIM,), dtype=jnp.float32)
    return {"grid": grid, "table": table, "gamma": gamma, "beta": beta}


def _layer_norm(x, gamma, beta):
    mean = jnp.mean(x, axis=-1, keepdims=True)
    var = jnp.mean((x - mean) ** 2, axis=-1, keepdims=True)
    x_hat = (x - mean) / jnp.sqrt(var + EPS)
    return x_hat * gamma + beta


def reference(grid, table, gamma, beta):
    batch_size, h, w = grid.shape
    flat_grid = grid.reshape(batch_size, h * w)
    flat_grid = jnp.clip(flat_grid, 0, NUM_COLORS - 1)
    flat_grid = jnp.where(flat_grid < 0, jnp.zeros_like(flat_grid), flat_grid)
    embeddings = jnp.take(table, flat_grid, axis=0)
    embeddings = _layer_norm(embeddings, gamma, beta)
    return embeddings

if __name__ == "__main__":
    import jax
    _d = setup_inputs()
    print(jax.jit(kernel)(*tuple(_d.values())))

</pallas_src>

<mosaic_0001>
#map = affine_map<(d0, d1) -> (0)>
module attributes {stable_mosaic.version = 14 : i64} {
  func.func @sc_gather(%arg0: i32, %arg1: i32, %arg2: memref<2048xf32, #tpu.memory_space<hbm>>, %arg3: memref<1048576xi32, #tpu.memory_space<hbm>>, %arg4: memref<134217728xf32, #tpu.memory_space<hbm>>, %arg5: memref<2048xf32, #tpu.memory_space<vmem>>, %arg6: memref<32768xi32, #tpu.memory_space<vmem>>, %arg7: memref<32768xf32, #tpu.memory_space<vmem>>, %arg8: memref<32768xf32, #tpu.memory_space<vmem>>, %arg9: memref<!tpu.dma_semaphore, #tpu.memory_space<semaphore_mem>>) attributes {dimension_semantics = [#tpu.dimension_semantics<core_parallel>, #tpu.dimension_semantics<subcore_parallel>], iteration_bounds = array<i64: 2, 16>, scalar_prefetch = 0 : i64, scratch_operands = 5 : i64, tpu.core_type = #tpu.core_type<sc_vector_subcore>, window_params = [{transform_indices = #map}, {transform_indices = #map}, {transform_indices = #map}]} {
    %mul3A = arith.constant 2 : i32
    %mul3A_0 = arith.muli %arg1, %mul3A : i32
    %add3A = arith.addi %mul3A_0, %arg0 : i32
    %mul3A_1 = arith.constant 32768 : i32
    %mul3A_2 = arith.muli %add3A, %mul3A_1 : i32
    "tpu.region"() ({
      %run_scoped3A = tpu.sem_alloc : memref<!tpu.dma_semaphore, #tpu.memory_space<semaphore_mem>>
      tpu.enqueue_dma source(%arg2 : memref<2048xf32, #tpu.memory_space<hbm>>) target(%arg5 : memref<2048xf32, #tpu.memory_space<vmem>>) target_semaphore(%run_scoped3A : memref<!tpu.dma_semaphore, #tpu.memory_space<semaphore_mem>>)
      tpu.wait_dma2 semaphore(%run_scoped3A : memref<!tpu.dma_semaphore, #tpu.memory_space<semaphore_mem>>) src(%arg2 : memref<2048xf32, #tpu.memory_space<hbm>>) dst(%arg5 : memref<2048xf32, #tpu.memory_space<vmem>>)
      tpu.yield
    }) : () -> ()
    "tpu.region"() ({
      %run_scoped3A = tpu.sem_alloc : memref<!tpu.dma_semaphore, #tpu.memory_space<semaphore_mem>>
      %dma_start3A = tpu.memref_slice %arg3[%mul3A_2] : memref<1048576xi32, #tpu.memory_space<hbm>> -> memref<32768xi32, #tpu.memory_space<hbm>>
      %dma_start3A_22 = tpu.memref_slice %arg3[%mul3A_2] : memref<1048576xi32, #tpu.memory_space<hbm>> -> memref<32768xi32, #tpu.memory_space<hbm>>
      tpu.enqueue_dma source(%dma_start3A_22 : memref<32768xi32, #tpu.memory_space<hbm>>) target(%arg6 : memref<32768xi32, #tpu.memory_space<vmem>>) target_semaphore(%run_scoped3A : memref<!tpu.dma_semaphore, #tpu.memory_space<semaphore_mem>>)
      %dma_wait3A_23 = tpu.memref_slice %arg3[%mul3A_2] : memref<1048576xi32, #tpu.memory_space<hbm>> -> memref<32768xi32, #tpu.memory_space<hbm>>
      %dma_wait3A_24 = tpu.memref_slice %arg3[%mul3A_2] : memref<1048576xi32, #tpu.memory_space<hbm>> -> memref<32768xi32, #tpu.memory_space<hbm>>
      tpu.wait_dma2 semaphore(%run_scoped3A : memref<!tpu.dma_semaphore, #tpu.memory_space<semaphore_mem>>) src(%dma_wait3A_24 : memref<32768xi32, #tpu.memory_space<hbm>>) dst(%arg6 : memref<32768xi32, #tpu.memory_space<vmem>>)
      tpu.yield
    }) : () -> ()
    %iota3A = tpu.iota {dimensions = array<i32: 0>} : vector<16xi32>
    %mul3A_3 = arith.constant 128 : i32
    %mul3A_4 = vector.broadcast %mul3A_3 : i32 to vector<16xi32>
    %mul3A_5 = arith.muli %iota3A, %mul3A_4 : vector<16xi32>
    %scan3A = arith.constant 0 : i32
    %scan3A_6 = arith.constant 0 : i32
    %scan3A_7 = arith.constant 64 : i32
    %scan3A_8 = arith.addi %scan3A_6, %scan3A_7 : i32
    %scan3A_9 = arith.constant 1 : i32
    scf.for %scan3A_22 = %scan3A_6 to %scan3A_8 step %scan3A_9  : i32 {
      %mul3A_23 = arith.constant 2 : i32
      %mul3A_24 = arith.muli %scan3A_22, %mul3A_23 : i32
      %add3A_25 = arith.constant 0 : i32
      %add3A_26 = arith.addi %mul3A_24, %add3A_25 : i32
      %ge3A = arith.constant 2 : i32
      %ge3A_27 = arith.cmpi sge, %add3A_26, %ge3A : i32
      %convert_element_type3A = arith.extui %ge3A_27 : i1 to i32
      %cond3A = arith.constant 0 : i32
      %cond3A_28 = arith.cmpi ne, %convert_element_type3A, %cond3A : i32
      scf.if %cond3A_28 {
        %sub3A = arith.constant 2 : i32
        %sub3A_56 = arith.subi %add3A_26, %sub3A : i32
        %mul3A_57 = arith.constant 256 : i32
        %mul3A_58 = arith.muli %sub3A_56, %mul3A_57 : i32
        %add3A_59 = arith.addi %mul3A_2, %mul3A_58 : i32
        %mul3A_60 = arith.constant 128 : i32
        %mul3A_61 = arith.muli %add3A_59, %mul3A_60 : i32
        %dma_wait3A_62 = tpu.memref_slice %arg4[%mul3A_61] : memref<134217728xf32, #tpu.memory_space<hbm>> -> memref<32768xf32, #tpu.memory_space<hbm>>
        %dma_wait3A_63 = tpu.memref_slice %arg4[%mul3A_61] : memref<134217728xf32, #tpu.memory_space<hbm>> -> memref<32768xf32, #tpu.memory_space<hbm>>
        tpu.wait_dma2 semaphore(%arg9 : memref<!tpu.dma_semaphore, #tpu.memory_space<semaphore_mem>>) src(%arg7 : memref<32768xf32, #tpu.memory_space<vmem>>) dst(%dma_wait3A_63 : memref<32768xf32, #tpu.memory_space<hbm>>)
      } else {
      }
      %parallel_loop3A = arith.constant 0 : i32
      %parallel_loop3A_29 = arith.constant 256 : i32
      %parallel_loop3A_30 = arith.constant 1 : i32
      scf.for %parallel_loop3A_56 = %parallel_loop3A to %parallel_loop3A_29 step %parallel_loop3A_30  : i32 {
        %parallel_loop3A_57 = arith.constant 4 : i32
        %parallel_loop3A_58 = arith.shrui %parallel_loop3A_56, %parallel_loop3A_57 : i32
        %parallel_loop3A_59 = arith.constant 15 : i32
        %parallel_loop3A_60 = arith.andi %parallel_loop3A_56, %parallel_loop3A_59 : i32
        %parallel_loop3A_61 = arith.constant 256 : i32
        %parallel_loop3A_62 = arith.muli %add3A_26, %parallel_loop3A_61 : i32
        %parallel_loop3A_63 = arith.constant 16 : i32
        %parallel_loop3A_64 = arith.muli %parallel_loop3A_58, %parallel_loop3A_63 : i32
        %parallel_loop3A_65 = arith.addi %parallel_loop3A_62, %parallel_loop3A_64 : i32
        %parallel_loop3A_66 = arith.index_cast %parallel_loop3A_65 : i32 to index
        %parallel_loop3A_67 = tpu.vector_load %arg6[%parallel_loop3A_66] {strides = array<i32>} : memref<32768xi32, #tpu.memory_space<vmem>>, vector<16xi32>,
        %parallel_loop3A_68 = arith.constant 7 : i32
        %parallel_loop3A_69 = vector.broadcast %parallel_loop3A_68 : i32 to vector<16xi32>
        %parallel_loop3A_70 = arith.shli %parallel_loop3A_67, %parallel_loop3A_69 : vector<16xi32>
        %parallel_loop3A_71 = arith.constant 2048 : i32
        %parallel_loop3A_72 = arith.muli %parallel_loop3A_58, %parallel_loop3A_71 : i32
        %parallel_loop3A_73 = vector.broadcast %parallel_loop3A_72 : i32 to vector<16xi32>
        %parallel_loop3A_74 = arith.addi %mul3A_5, %parallel_loop3A_73 : vector<16xi32>
        %parallel_loop3A_75 = vector.broadcast %parallel_loop3A_60 : i32 to vector<16xi32>
        %parallel_loop3A_76 = arith.addi %iota3A, %parallel_loop3A_75 : vector<16xi32>
        %parallel_loop3A_77 = arith.constant 15 : i32
        %parallel_loop3A_78 = vector.broadcast %parallel_loop3A_77 : i32 to vector<16xi32>
        %parallel_loop3A_79 = arith.andi %parallel_loop3A_76, %parallel_loop3A_78 : vector<16xi32>
        %parallel_loop3A_80 = arith.constant 0 : i32
        %parallel_loop3A_81 = vector.broadcast %parallel_loop3A_80 : i32 to vector<16xi32>
        %parallel_loop3A_82 = arith.addi %parallel_loop3A_79, %parallel_loop3A_81 : vector<16xi32>
        %parallel_loop3A_83 = arith.addi %parallel_loop3A_70, %parallel_loop3A_82 : vector<16xi32>
        %parallel_loop3A_84 = tpu.vector_load_idx %arg5[%parallel_loop3A_83] : memref<2048xf32, #tpu.memory_space<vmem>>[vector<16xi32>], vector<16xf32>,
        %parallel_loop3A_85 = arith.addi %parallel_loop3A_74, %parallel_loop3A_82 : vector<16xi32>
        tpu.vector_store_idx %arg7[%parallel_loop3A_85], %parallel_loop3A_84 : memref<32768xf32, #tpu.memory_space<vmem>>[vector<16xi32>], vector<16xf32>,
        %parallel_loop3A_86 = arith.constant 16 : i32
        %parallel_loop3A_87 = vector.broadcast %parallel_loop3A_86 : i32 to vector<16xi32>
        %parallel_loop3A_88 = arith.addi %parallel_loop3A_79, %parallel_loop3A_87 : vector<16xi32>
        %parallel_loop3A_89 = arith.addi %parallel_loop3A_70, %parallel_loop3A_88 : vector<16xi32>
        %parallel_loop3A_90 = tpu.vector_load_idx %arg5[%parallel_loop3A_89] : memref<2048xf32, #tpu.memory_space<vmem>>[vector<16xi32>], vector<16xf32>,
        %parallel_loop3A_91 = arith.addi %parallel_loop3A_74, %parallel_loop3A_88 : vector<16xi32>
        tpu.vector_store_idx %arg7[%parallel_loop3A_91], %parallel_loop3A_90 : memref<32768xf32, #tpu.memory_space<vmem>>[vector<16xi32>], vector<16xf32>,
        %parallel_loop3A_92 = arith.constant 32 : i32
        %parallel_loop3A_93 = vector.broadcast %parallel_loop3A_92 : i32 to vector<16xi32>
        %parallel_loop3A_94 = arith.addi %parallel_loop3A_79, %parallel_loop3A_93 : vector<16xi32>
        %parallel_loop3A_95 = arith.addi %parallel_loop3A_70, %parallel_loop3A_94 : vector<16xi32>
        %parallel_loop3A_96 = tpu.vector_load_idx %arg5[%parallel_loop3A_95] : memref<2048xf32, #tpu.memory_space<vmem>>[vector<16xi32>], vector<16xf32>,
        %parallel_loop3A_97 = arith.addi %parallel_loop3A_74, %parallel_loop3A_94 : vector<16xi32>
        tpu.vector_store_idx %arg7[%parallel_loop3A_97], %parallel_loop3A_96 : memref<32768xf32, #tpu.memory_space<vmem>>[vector<16xi32>], vector<16xf32>,
        %parallel_loop3A_98 = arith.constant 48 : i32
        %parallel_loop3A_99 = vector.broadcast %parallel_loop3A_98 : i32 to vector<16xi32>
        %parallel_loop3A_100 = arith.addi %parallel_loop3A_79, %parallel_loop3A_99 : vector<16xi32>
        %parallel_loop3A_101 = arith.addi %parallel_loop3A_70, %parallel_loop3A_100 : vector<16xi32>
        %parallel_loop3A_102 = tpu.vector_load_idx %arg5[%parallel_loop3A_101] : memref<2048xf32, #tpu.memory_space<vmem>>[vector<16xi32>], vector<16xf32>,
        %parallel_loop3A_103 = arith.addi %parallel_loop3A_74, %parallel_loop3A_100 : vector<16xi32>
        tpu.vector_store_idx %arg7[%parallel_loop3A_103], %parallel_loop3A_102 : memref<32768xf32, #tpu.memory_space<vmem>>[vector<16xi32>], vector<16xf32>,
        %parallel_loop3A_104 = arith.constant 64 : i32
        %parallel_loop3A_105 = vector.broadcast %parallel_loop3A_104 : i32 to vector<16xi32>
        %parallel_loop3A_106 = arith.addi %parallel_loop3A_79, %parallel_loop3A_105 : vector<16xi32>
        %parallel_loop3A_107 = arith.addi %parallel_loop3A_70, %parallel_loop3A_106 : vector<16xi32>
        %parallel_loop3A_108 = tpu.vector_load_idx %arg5[%parallel_loop3A_107] : memref<2048xf32, #tpu.memory_space<vmem>>[vector<16xi32>], vector<16xf32>,
        %parallel_loop3A_109 = arith.addi %parallel_loop3A_74, %parallel_loop3A_106 : vector<16xi32>
        tpu.vector_store_idx %arg7[%parallel_loop3A_109], %parallel_loop3A_108 : memref<32768xf32, #tpu.memory_space<vmem>>[vector<16xi32>], vector<16xf32>,
        %parallel_loop3A_110 = arith.constant 80 : i32
        %parallel_loop3A_111 = vector.broadcast %parallel_loop3A_110 : i32 to vector<16xi32>
        %parallel_loop3A_112 = arith.addi %parallel_loop3A_79, %parallel_loop3A_111 : vector<16xi32>
        %parallel_loop3A_113 = arith.addi %parallel_loop3A_70, %parallel_loop3A_112 : vector<16xi32>
        %parallel_loop3A_114 = tpu.vector_load_idx %arg5[%parallel_loop3A_113] : memref<2048xf32, #tpu.memory_space<vmem>>[vector<16xi32>], vector<16xf32>,
        %parallel_loop3A_115 = arith.addi %parallel_loop3A_74, %parallel_loop3A_112 : vector<16xi32>
        tpu.vector_store_idx %arg7[%parallel_loop3A_115], %parallel_loop3A_114 : memref<32768xf32, #tpu.memory_space<vmem>>[vector<16xi32>], vector<16xf32>,
        %parallel_loop3A_116 = arith.constant 96 : i32
        %parallel_loop3A_117 = vector.broadcast %parallel_loop3A_116 : i32 to vector<16xi32>
        %parallel_loop3A_118 = arith.addi %parallel_loop3A_79, %parallel_loop3A_117 : vector<16xi32>
        %parallel_loop3A_119 = arith.addi %parallel_loop3A_70, %parallel_loop3A_118 : vector<16xi32>
        %parallel_loop3A_120 = tpu.vector_load_idx %arg5[%parallel_loop3A_119] : memref<2048xf32, #tpu.memory_space<vmem>>[vector<16xi32>], vector<16xf32>,
        %parallel_loop3A_121 = arith.addi %parallel_loop3A_74, %parallel_loop3A_118 : vector<16xi32>
        tpu.vector_store_idx %arg7[%parallel_loop3A_121], %parallel_loop3A_120 : memref<32768xf32, #tpu.memory_space<vmem>>[vector<16xi32>], vector<16xf32>,
        %parallel_loop3A_122 = arith.constant 112 : i32
        %parallel_loop3A_123 = vector.broadcast %parallel_loop3A_122 : i32 to vector<16xi32>
        %parallel_loop3A_124 = arith.addi %parallel_loop3A_79, %parallel_loop3A_123 : vector<16xi32>
        %parallel_loop3A_125 = arith.addi %parallel_loop3A_70, %parallel_loop3A_124 : vector<16xi32>
        %parallel_loop3A_126 = tpu.vector_load_idx %arg5[%parallel_loop3A_125] : memref<2048xf32, #tpu.memory_space<vmem>>[vector<16xi32>], vector<16xf32>,
        %parallel_loop3A_127 = arith.addi %parallel_loop3A_74, %parallel_loop3A_124 : vector<16xi32>
        tpu.vector_store_idx %arg7[%parallel_loop3A_127], %parallel_loop3A_126 : memref<32768xf32, #tpu.memory_space<vmem>>[vector<16xi32>], vector<16xf32>,
      } {sc.loop_unroll_factor = 4 : i64, sc.parallel_access}
      %mul3A_31 = arith.constant 256 : i32
      %mul3A_32 = arith.muli %add3A_26, %mul3A_31 : i32
      %add3A_33 = arith.addi %mul3A_2, %mul3A_32 : i32
      %mul3A_34 = arith.constant 128 : i32
      %mul3A_35 = arith.muli %add3A_33, %mul3A_34 : i32
      %dma_start3A = tpu.memref_slice %arg4[%mul3A_35] : memref<134217728xf32, #tpu.memory_space<hbm>> -> memref<32768xf32, #tpu.memory_space<hbm>>
      %dma_start3A_36 = tpu.memref_slice %arg4[%mul3A_35] : memref<134217728xf32, #tpu.memory_space<hbm>> -> memref<32768xf32, #tpu.memory_space<hbm>>
      tpu.enqueue_dma source(%arg7 : memref<32768xf32, #tpu.memory_space<vmem>>) target(%dma_start3A_36 : memref<32768xf32, #tpu.memory_space<hbm>>) target_semaphore(%arg9 : memref<!tpu.dma_semaphore, #tpu.memory_space<semaphore_mem>>)
      %mul3A_37 = arith.constant 2 : i32
      %mul3A_38 = arith.muli %scan3A_22, %mul3A_37 : i32
      %add3A_39 = arith.constant 1 : i32
      %add3A_40 = arith.addi %mul3A_38, %add3A_39 : i32
      %ge3A_41 = arith.constant 2 : i32
      %ge3A_42 = arith.cmpi sge, %add3A_40, %ge3A_41 : i32
      %convert_element_type3A_43 = arith.extui %ge3A_42 : i1 to i32
      %cond3A_44 = arith.constant 0 : i32
      %cond3A_45 = arith.cmpi ne, %convert_element_type3A_43, %cond3A_44 : i32
      scf.if %cond3A_45 {
        %sub3A = arith.constant 2 : i32
        %sub3A_56 = arith.subi %add3A_40, %sub3A : i32
        %mul3A_57 = arith.constant 256 : i32
        %mul3A_58 = arith.muli %sub3A_56, %mul3A_57 : i32
        %add3A_59 = arith.addi %mul3A_2, %mul3A_58 : i32
        %mul3A_60 = arith.constant 128 : i32
        %mul3A_61 = arith.muli %add3A_59, %mul3A_60 : i32
        %dma_wait3A_62 = tpu.memref_slice %arg4[%mul3A_61] : memref<134217728xf32, #tpu.memory_space<hbm>> -> memref<32768xf32, #tpu.memory_space<hbm>>
        %dma_wait3A_63 = tpu.memref_slice %arg4[%mul3A_61] : memref<134217728xf32, #tpu.memory_space<hbm>> -> memref<32768xf32, #tpu.memory_space<hbm>>
        tpu.wait_dma2 semaphore(%arg9 : memref<!tpu.dma_semaphore, #tpu.memory_space<semaphore_mem>>) src(%arg8 : memref<32768xf32, #tpu.memory_space<vmem>>) dst(%dma_wait3A_63 : memref<32768xf32, #tpu.memory_space<hbm>>)
      } else {
      }
      %parallel_loop3A_46 = arith.constant 0 : i32
      %parallel_loop3A_47 = arith.constant 256 : i32
      %parallel_loop3A_48 = arith.constant 1 : i32
      scf.for %parallel_loop3A_56 = %parallel_loop3A_46 to %parallel_loop3A_47 step %parallel_loop3A_48  : i32 {
        %parallel_loop3A_57 = arith.constant 4 : i32
        %parallel_loop3A_58 = arith.shrui %parallel_loop3A_56, %parallel_loop3A_57 : i32
        %parallel_loop3A_59 = arith.constant 15 : i32
        %parallel_loop3A_60 = arith.andi %parallel_loop3A_56, %parallel_loop3A_59 : i32
        %parallel_loop3A_61 = arith.constant 256 : i32
        %parallel_loop3A_62 = arith.muli %add3A_40, %parallel_loop3A_61 : i32
        %parallel_loop3A_63 = arith.constant 16 : i32
        %parallel_loop3A_64 = arith.muli %parallel_loop3A_58, %parallel_loop3A_63 : i32
        %parallel_loop3A_65 = arith.addi %parallel_loop3A_62, %parallel_loop3A_64 : i32
        %parallel_loop3A_66 = arith.index_cast %parallel_loop3A_65 : i32 to index
        %parallel_loop3A_67 = tpu.vector_load %arg6[%parallel_loop3A_66] {strides = array<i32>} : memref<32768xi32, #tpu.memory_space<vmem>>, vector<16xi32>,
        %parallel_loop3A_68 = arith.constant 7 : i32
        %parallel_loop3A_69 = vector.broadcast %parallel_loop3A_68 : i32 to vector<16xi32>
        %parallel_loop3A_70 = arith.shli %parallel_loop3A_67, %parallel_loop3A_69 : vector<16xi32>
        %parallel_loop3A_71 = arith.constant 2048 : i32
        %parallel_loop3A_72 = arith.muli %parallel_loop3A_58, %parallel_loop3A_71 : i32
        %parallel_loop3A_73 = vector.broadcast %parallel_loop3A_72 : i32 to vector<16xi32>
        %parallel_loop3A_74 = arith.addi %mul3A_5, %parallel_loop3A_73 : vector<16xi32>
        %parallel_loop3A_75 = vector.broadcast %parallel_loop3A_60 : i32 to vector<16xi32>
        %parallel_loop3A_76 = arith.addi %iota3A, %parallel_loop3A_75 : vector<16xi32>
        %parallel_loop3A_77 = arith.constant 15 : i32
        %parallel_loop3A_78 = vector.broadcast %parallel_loop3A_77 : i32 to vector<16xi32>
        %parallel_loop3A_79 = arith.andi %parallel_loop3A_76, %parallel_loop3A_78 : vector<16xi32>
        %parallel_loop3A_80 = arith.constant 0 : i32
        %parallel_loop3A_81 = vector.broadcast %parallel_loop3A_80 : i32 to vector<16xi32>
        %parallel_loop3A_82 = arith.addi %parallel_loop3A_79, %parallel_loop3A_81 : vector<16xi32>
        %parallel_loop3A_83 = arith.addi %parallel_loop3A_70, %parallel_loop3A_82 : vector<16xi32>
        %parallel_loop3A_84 = tpu.vector_load_idx %arg5[%parallel_loop3A_83] : memref<2048xf32, #tpu.memory_space<vmem>>[vector<16xi32>], vector<16xf32>,
        %parallel_loop3A_85 = arith.addi %parallel_loop3A_74, %parallel_loop3A_82 : vector<16xi32>
        tpu.vector_store_idx %arg8[%parallel_loop3A_85], %parallel_loop3A_84 : memref<32768xf32, #tpu.memory_space<vmem>>[vector<16xi32>], vector<16xf32>,
        %parallel_loop3A_86 = arith.constant 16 : i32
        %parallel_loop3A_87 = vector.broadcast %parallel_loop3A_86 : i32 to vector<16xi32>
        %parallel_loop3A_88 = arith.addi %parallel_loop3A_79, %parallel_loop3A_87 : vector<16xi32>
        %parallel_loop3A_89 = arith.addi %parallel_loop3A_70, %parallel_loop3A_88 : vector<16xi32>
        %parallel_loop3A_90 = tpu.vector_load_idx %arg5[%parallel_loop3A_89] : memref<2048xf32, #tpu.memory_space<vmem>>[vector<16xi32>], vector<16xf32>,
        %parallel_loop3A_91 = arith.addi %parallel_loop3A_74, %parallel_loop3A_88 : vector<16xi32>
        tpu.vector_store_idx %arg8[%parallel_loop3A_91], %parallel_loop3A_90 : memref<32768xf32, #tpu.memory_space<vmem>>[vector<16xi32>], vector<16xf32>,
        %parallel_loop3A_92 = arith.constant 32 : i32
        %parallel_loop3A_93 = vector.broadcast %parallel_loop3A_92 : i32 to vector<16xi32>
        %parallel_loop3A_94 = arith.addi %parallel_loop3A_79, %parallel_loop3A_93 : vector<16xi32>
        %parallel_loop3A_95 = arith.addi %parallel_loop3A_70, %parallel_loop3A_94 : vector<16xi32>
        %parallel_loop3A_96 = tpu.vector_load_idx %arg5[%parallel_loop3A_95] : memref<2048xf32, #tpu.memory_space<vmem>>[vector<16xi32>], vector<16xf32>,
        %parallel_loop3A_97 = arith.addi %parallel_loop3A_74, %parallel_loop3A_94 : vector<16xi32>
        tpu.vector_store_idx %arg8[%parallel_loop3A_97], %parallel_loop3A_96 : memref<32768xf32, #tpu.memory_space<vmem>>[vector<16xi32>], vector<16xf32>,
        %parallel_loop3A_98 = arith.constant 48 : i32
        %parallel_loop3A_99 = vector.broadcast %parallel_loop3A_98 : i32 to vector<16xi32>
        %parallel_loop3A_100 = arith.addi %parallel_loop3A_79, %parallel_loop3A_99 : vector<16xi32>
        %parallel_loop3A_101 = arith.addi %parallel_loop3A_70, %parallel_loop3A_100 : vector<16xi32>
        %parallel_loop3A_102 = tpu.vector_load_idx %arg5[%parallel_loop3A_101] : memref<2048xf32, #tpu.memory_space<vmem>>[vector<16xi32>], vector<16xf32>,
        %parallel_loop3A_103 = arith.addi %parallel_loop3A_74, %parallel_loop3A_100 : vector<16xi32>
        tpu.vector_store_idx %arg8[%parallel_loop3A_103], %parallel_loop3A_102 : memref<32768xf32, #tpu.memory_space<vmem>>[vector<16xi32>], vector<16xf32>,
        %parallel_loop3A_104 = arith.constant 64 : i32
        %parallel_loop3A_105 = vector.broadcast %parallel_loop3A_104 : i32 to vector<16xi32>
        %parallel_loop3A_106 = arith.addi %parallel_loop3A_79, %parallel_loop3A_105 : vector<16xi32>
        %parallel_loop3A_107 = arith.addi %parallel_loop3A_70, %parallel_loop3A_106 : vector<16xi32>
        %parallel_loop3A_108 = tpu.vector_load_idx %arg5[%parallel_loop3A_107] : memref<2048xf32, #tpu.memory_space<vmem>>[vector<16xi32>], vector<16xf32>,
        %parallel_loop3A_109 = arith.addi %parallel_loop3A_74, %parallel_loop3A_106 : vector<16xi32>
        tpu.vector_store_idx %arg8[%parallel_loop3A_109], %parallel_loop3A_108 : memref<32768xf32, #tpu.memory_space<vmem>>[vector<16xi32>], vector<16xf32>,
        %parallel_loop3A_110 = arith.constant 80 : i32
        %parallel_loop3A_111 = vector.broadcast %parallel_loop3A_110 : i32 to vector<16xi32>
        %parallel_loop3A_112 = arith.addi %parallel_loop3A_79, %parallel_loop3A_111 : vector<16xi32>
        %parallel_loop3A_113 = arith.addi %parallel_loop3A_70, %parallel_loop3A_112 : vector<16xi32>
        %parallel_loop3A_114 = tpu.vector_load_idx %arg5[%parallel_loop3A_113] : memref<2048xf32, #tpu.memory_space<vmem>>[vector<16xi32>], vector<16xf32>,
        %parallel_loop3A_115 = arith.addi %parallel_loop3A_74, %parallel_loop3A_112 : vector<16xi32>
        tpu.vector_store_idx %arg8[%parallel_loop3A_115], %parallel_loop3A_114 : memref<32768xf32, #tpu.memory_space<vmem>>[vector<16xi32>], vector<16xf32>,
        %parallel_loop3A_116 = arith.constant 96 : i32
        %parallel_loop3A_117 = vector.broadcast %parallel_loop3A_116 : i32 to vector<16xi32>
        %parallel_loop3A_118 = arith.addi %parallel_loop3A_79, %parallel_loop3A_117 : vector<16xi32>
        %parallel_loop3A_119 = arith.addi %parallel_loop3A_70, %parallel_loop3A_118 : vector<16xi32>
        %parallel_loop3A_120 = tpu.vector_load_idx %arg5[%parallel_loop3A_119] : memref<2048xf32, #tpu.memory_space<vmem>>[vector<16xi32>], vector<16xf32>,
        %parallel_loop3A_121 = arith.addi %parallel_loop3A_74, %parallel_loop3A_118 : vector<16xi32>
        tpu.vector_store_idx %arg8[%parallel_loop3A_121], %parallel_loop3A_120 : memref<32768xf32, #tpu.memory_space<vmem>>[vector<16xi32>], vector<16xf32>,
        %parallel_loop3A_122 = arith.constant 112 : i32
        %parallel_loop3A_123 = vector.broadcast %parallel_loop3A_122 : i32 to vector<16xi32>
        %parallel_loop3A_124 = arith.addi %parallel_loop3A_79, %parallel_loop3A_123 : vector<16xi32>
        %parallel_loop3A_125 = arith.addi %parallel_loop3A_70, %parallel_loop3A_124 : vector<16xi32>
        %parallel_loop3A_126 = tpu.vector_load_idx %arg5[%parallel_loop3A_125] : memref<2048xf32, #tpu.memory_space<vmem>>[vector<16xi32>], vector<16xf32>,
        %parallel_loop3A_127 = arith.addi %parallel_loop3A_74, %parallel_loop3A_124 : vector<16xi32>
        tpu.vector_store_idx %arg8[%parallel_loop3A_127], %parallel_loop3A_126 : memref<32768xf32, #tpu.memory_space<vmem>>[vector<16xi32>], vector<16xf32>,
      } {sc.loop_unroll_factor = 4 : i64, sc.parallel_access}
      %mul3A_49 = arith.constant 256 : i32
      %mul3A_50 = arith.muli %add3A_40, %mul3A_49 : i32
      %add3A_51 = arith.addi %mul3A_2, %mul3A_50 : i32
      %mul3A_52 = arith.constant 128 : i32
      %mul3A_53 = arith.muli %add3A_51, %mul3A_52 : i32
      %dma_start3A_54 = tpu.memref_slice %arg4[%mul3A_53] : memref<134217728xf32, #tpu.memory_space<hbm>> -> memref<32768xf32, #tpu.memory_space<hbm>>
      %dma_start3A_55 = tpu.memref_slice %arg4[%mul3A_53] : memref<134217728xf32, #tpu.memory_space<hbm>> -> memref<32768xf32, #tpu.memory_space<hbm>>
      tpu.enqueue_dma source(%arg8 : memref<32768xf32, #tpu.memory_space<vmem>>) target(%dma_start3A_55 : memref<32768xf32, #tpu.memory_space<hbm>>) target_semaphore(%arg9 : memref<!tpu.dma_semaphore, #tpu.memory_space<semaphore_mem>>)
    }
    %scan3A_10 = arith.constant 64 : i32
    %add3A_11 = arith.constant 32256 : i32
    %add3A_12 = arith.addi %mul3A_2, %add3A_11 : i32
    %mul3A_13 = arith.constant 128 : i32
    %mul3A_14 = arith.muli %add3A_12, %mul3A_13 : i32
    %dma_wait3A = tpu.memref_slice %arg4[%mul3A_14] : memref<134217728xf32, #tpu.memory_space<hbm>> -> memref<32768xf32, #tpu.memory_space<hbm>>
    %dma_wait3A_15 = tpu.memref_slice %arg4[%mul3A_14] : memref<134217728xf32, #tpu.memory_space<hbm>> -> memref<32768xf32, #tpu.memory_space<hbm>>
    tpu.wait_dma2 semaphore(%arg9 : memref<!tpu.dma_semaphore, #tpu.memory_space<semaphore_mem>>) src(%arg7 : memref<32768xf32, #tpu.memory_space<vmem>>) dst(%dma_wait3A_15 : memref<32768xf32, #tpu.memory_space<hbm>>)
    %add3A_16 = arith.constant 32512 : i32
    %add3A_17 = arith.addi %mul3A_2, %add3A_16 : i32
    %mul3A_18 = arith.constant 128 : i32
    %mul3A_19 = arith.muli %add3A_17, %mul3A_18 : i32
    %dma_wait3A_20 = tpu.memref_slice %arg4[%mul3A_19] : memref<134217728xf32, #tpu.memory_space<hbm>> -> memref<32768xf32, #tpu.memory_space<hbm>>
    %dma_wait3A_21 = tpu.memref_slice %arg4[%mul3A_19] : memref<134217728xf32, #tpu.memory_space<hbm>> -> memref<32768xf32, #tpu.memory_space<hbm>>
    tpu.wait_dma2 semaphore(%arg9 : memref<!tpu.dma_semaphore, #tpu.memory_space<semaphore_mem>>) src(%arg8 : memref<32768xf32, #tpu.memory_space<vmem>>) dst(%dma_wait3A_21 : memref<32768xf32, #tpu.memory_space<hbm>>)
    return
  }
}

module attributes {stable_mosaic.version = 14 : i64} {
  func.func @_ln_body(%arg0: memref<16x128xf32, #tpu.memory_space<vmem>>, %arg1: memref<1x128xf32, #tpu.memory_space<vmem>>, %arg2: memref<1x128xf32, #tpu.memory_space<vmem>>, %arg3: memref<16x128xf32, #tpu.memory_space<vmem>>) attributes {dimension_semantics = [], scalar_prefetch = 0 : i64, scratch_operands = 0 : i64, tpu.core_type = #tpu.core_type<tc>} {
    %get3A = arith.constant 0 : index
    %get3A_0 = arith.constant 0 : index
    %get3A_1 = vector.load %arg0[%get3A, %get3A_0] : memref<16x128xf32, #tpu.memory_space<vmem>>, vector<16x128xf32>
    %reduce_sum3A = arith.constant dense<0.000000e+00> : vector<16xf32>
    %reduce_sum3A_2 = vector.multi_reduction <add>, %get3A_1, %reduce_sum3A [1] : vector<16x128xf32> to vector<16xf32>
    %broadcast_in_dim3A = vector.shape_cast %reduce_sum3A_2 : vector<16xf32> to vector<16x1xf32>
    %div3A = arith.constant 1.280000e+02 : f32
    %div3A_3 = vector.broadcast %div3A : f32 to vector<16x1xf32>
    %div3A_4 = arith.divf %broadcast_in_dim3A, %div3A_3 : vector<16x1xf32>
    %sub3A = vector.broadcast %div3A_4 : vector<16x1xf32> to vector<16x128xf32>
    %sub3A_5 = arith.subf %get3A_1, %sub3A : vector<16x128xf32>
    %integer_pow3A = arith.mulf %sub3A_5, %sub3A_5 : vector<16x128xf32>
    %reduce_sum3A_6 = arith.constant dense<0.000000e+00> : vector<16xf32>
    %reduce_sum3A_7 = vector.multi_reduction <add>, %integer_pow3A, %reduce_sum3A_6 [1] : vector<16x128xf32> to vector<16xf32>
    %broadcast_in_dim3A_8 = vector.shape_cast %reduce_sum3A_7 : vector<16xf32> to vector<16x1xf32>
    %div3A_9 = arith.constant 1.280000e+02 : f32
    %div3A_10 = vector.broadcast %div3A_9 : f32 to vector<16x1xf32>
    %div3A_11 = arith.divf %broadcast_in_dim3A_8, %div3A_10 : vector<16x1xf32>
    %sub3A_12 = vector.broadcast %div3A_4 : vector<16x1xf32> to vector<16x128xf32>
    %sub3A_13 = arith.subf %get3A_1, %sub3A_12 : vector<16x128xf32>
    %add3A = arith.constant 9.99999974E-6 : f32
    %add3A_14 = vector.broadcast %add3A : f32 to vector<16x1xf32>
    %add3A_15 = arith.addf %div3A_11, %add3A_14 : vector<16x1xf32>
    %rsqrt3A = math.rsqrt %add3A_15 : vector<16x1xf32>
    %mul3A = vector.broadcast %rsqrt3A : vector<16x1xf32> to vector<16x128xf32>
    %mul3A_16 = arith.mulf %sub3A_13, %mul3A : vector<16x128xf32>
    %get3A_17 = arith.constant 0 : index
    %get3A_18 = arith.constant 0 : index
    %get3A_19 = vector.load %arg1[%get3A_17, %get3A_18] : memref<1x128xf32, #tpu.memory_space<vmem>>, vector<1x128xf32>
    %mul3A_20 = vector.broadcast %get3A_19 : vector<1x128xf32> to vector<16x128xf32>
    %mul3A_21 = arith.mulf %mul3A_16, %mul3A_20 : vector<16x128xf32>
    %get3A_22 = arith.constant 0 : index
    %get3A_23 = arith.constant 0 : index
    %get3A_24 = vector.load %arg2[%get3A_22, %get3A_23] : memref<1x128xf32, #tpu.memory_space<vmem>>, vector<1x128xf32>
    %add3A_25 = vector.broadcast %get3A_24 : vector<1x128xf32> to vector<16x128xf32>
    %add3A_26 = arith.addf %mul3A_21, %add3A_25 : vector<16x128xf32>
    %swap3A = arith.constant 0 : index
    %swap3A_27 = arith.constant 0 : index
    %swap3A_28 = vector.load %arg3[%swap3A, %swap3A_27] : memref<16x128xf32, #tpu.memory_space<vmem>>, vector<16x128xf32>
    tpu.vector_store %arg3[%swap3A, %swap3A_27], %add3A_26 {strides = array<i32>} : memref<16x128xf32, #tpu.memory_space<vmem>>, vector<16x128xf32>,
    return
  }
}

</mosaic_0001>

<sc_bundles>
// kernel: kernel.4.cloned.1.call-start
scs
__scs_entry_jumppad:
0x0: {  	(pc) =	sbr.rel $0x88, $3  }
0x1: {  	(tag) =	ssettag $0x0;
	lr =	simm.s32 $0x1  }
0x2: {  	[smem:$0x3F9D] =	sst lr;
	_ =	strace $0xD0000000  }
0x3: {  	_ = 	snop  }
0x4: {  	_ = 	snop  }
0x5: {  	_ = 	snop  }
0x6: {  	_ = 	snop  }
0x7: {  	_ = 	snop  }
__scs_overlays_trampoline_lowered:
0x8: {  	[smem:$0x3FAC] =	sst s0  }
0x9: {  	[smem:$0x3FAD] =	sst s1  }
0xa: {  	[smem:$0x3FAE] =	sst s2  }
0xb: {  	[smem:$0x3FAF] =	sst s3  }
0xc: {  	[smem:$0x3FB0] =	sst s4  }
0xd: {  	[smem:$0x3FB1] =	sst s5  }
0xe: {  	[smem:$0x3FB2] =	sst s6  }
0xf: {  	[smem:$0x3FB3] =	sst s7  }
0x10: {  	[smem:$0x3FB4] =	sst s8  }
0x11: {  	[smem:$0x3FB5] =	sst s9;
	s0 =	simm.s32 @!p0 $0x0  }
0x12: {  	s1 =	sld [smem:$0x3F9B];
	s0 =	simm.s32 @p0 $0x1  }
0x13: {  	[smem:$0x3FB6] =	sst s0;
	s0 =	simm.s32 @!p1 $0x0  }
0x14: {  	s2 =	sld [smem:$0x3F9A];
	s0 =	simm.s32 @p1 $0x1  }
0x15: {  	[smem:$0x3FB7] =	sst s0;
	s0 =	simm.s32 @!p2 $0x0  }
0x16: {  	s3 =	sld [smem:$0x3FDB];
	s0 =	simm.s32 @p2 $0x1  }
0x17: {  	s4 =	simm.s32 $0x1BF5;
	[smem:$0x3FB9] =	sst s0  }
0x18: {  	s0 =	sld [smem:$0x3F9C];
	_ =	swait.ge [sflag:s4], $0x0  }
0x19: {  	s7 =	sld [smem:$0x3F9D]  }
0x1a: {  	s8 =	sadd.s32 $0xFFFFE003, lr  }
0x1b: {  	s9 =	sadd.s32 $0xFFFFFEF7, lr;
	s5 =	simm.s32 $0xFFFFFFFF;
	p2 =	slt.u32 s8, $0xFFFFF086  }
0x1c: {  	p1 =	slt.u32 s9, $0xF7A;
	s5 =	simm.s32 @!p2 $0x0  }
0x1d: {  	s5 =	simm.s32 @p1 $0x1;
	p0 =	seq.s32 s7, s2  }
0x1e: {  	s7 =	smul.u32 @!p0 $0xF7A, s2;
	p2 =	seq.s32 @!p0 s5, $0x0  }
0x1f: {  	s9 =	smul.u32 $0xF7A, s1;
	s8 =	simm.s32 @!p0 $0x1BF5;
	p2 =	por !p2, p0  }
0x20: {  	[sflag:s8] =	ssyncset.s32 @!p0 $0xFFFFF086;
	s6 =	sadd.s32 @!p0 s3, s7;
	s7 =	simm.s32 @!p0 $0x108  }
0x21: {  	s3 =	sadd.s32 s3, s9;
	s6 =	sadd.s32 @!p0 $0x88, s6;
	s7 =	simm.s32 @p2 $0x1082  }
0x22: {  	[simem:s7], [sflag:s8] =	dma.local @!p0 [hbm:s6], $0xF7A  }
0x23: {  	s9 =	sor.u32 $0xD0000000, s2;
	s6 =	simm.s32 $0x108;
	_ =	swait.ge @!p0 [sflag:s8], $0x0  }
0x24: {  	s3 =	sadd.s32 $0x88, s3;
	s6 =	simm.s32 @!p1 $0x1082;
	[sflag:s4] =	ssyncset.s32 $0xFFFFF086  }
0x25: {  	[simem:s6], [sflag:s4] =	dma.local [hbm:s3], $0xF7A  }
0x26: {  	[smem:$0x3F9D] =	sst s1;
	(tag) =	ssettag s2;
	_ =	strace s9  }
0x27: {  	s1 =	sld [smem:$0x3FAD]  }
0x28: {  	s2 =	sld [smem:$0x3FAE]  }
0x29: {  	s4 =	sld [smem:$0x3FB0]  }
0x2a: {  	p0 =	seq.s32 s5, $0x0;
	s5 =	sld [smem:$0x3FB1]  }
0x2b: {  	s6 =	sld [smem:$0x3FB2]  }
0x2c: {  	s7 =	sld [smem:$0x3FB3]  }
0x2d: {  	s3 =	simm.s32 $0x108;
	s8 =	sld [smem:$0x3FB4]  }
0x2e: {  	s3 =	simm.s32 @!p0 $0x1082;
	s9 =	sld [smem:$0x3FB5]  }
0x2f: {  	lr =	sadd.s32 s0, s3;
	s0 =	sld [smem:$0x3FAC]  }
0x30: {  	s3 =	sld [smem:$0x3FAF]  }
0x31: {  	[smem:$0x3FB8] =	sst s10  }
0x32: {  	s10 =	sld [smem:$0x3FB6];
	_ =	sdelay $0x3  }
0x33: {  	p0 =	seq.s32 s10, $0x1;
	s10 =	sld [smem:$0x3FB8];
	_ =	sdelay $0x3  }
0x34: {  	[smem:$0x3FB8] =	sst s10  }
0x35: {  	s10 =	sld [smem:$0x3FB7];
	_ =	sdelay $0x3  }
0x36: {  	p1 =	seq.s32 s10, $0x1;
	s10 =	sld [smem:$0x3FB8];
	_ =	sdelay $0x3  }
0x37: {  	[smem:$0x3FB8] =	sst s10  }
0x38: {  	s10 =	sld [smem:$0x3FB9]  }
0x39: {  	_ = 	snop;
	(pc) =	sbr.ind lr, $3  }
0x3a: {  	_ = 	snop  }
0x3b: {  	_ = 	snop  }
0x3c: {  	p2 =	seq.s32 s10, $0x1;
	s10 =	sld [smem:$0x3FB8]  }
0x3d: {  	_ =	shalt  }
0x3e: {  	_ =	shalt  }
0x3f: {  	_ =	shalt  }
0x40: {  	_ =	shalt  }
0x41: {  	_ =	shalt  }
0x42: {  	_ =	shalt  }
0x43: {  	_ =	shalt  }
0x44: {  	_ =	shalt  }
0x45: {  	_ =	shalt  }
0x46: {  	_ =	shalt  }
0x47: {  	_ =	shalt  }
0x48: {  	_ =	shalt  }
0x49: {  	_ =	shalt  }
0x4a: {  	_ =	shalt  }
0x4b: {  	_ =	shalt  }
0x4c: {  	_ =	shalt  }
0x4d: {  	_ =	shalt  }
0x4e: {  	_ =	shalt  }
0x4f: {  	_ =	shalt  }
0x50: {  	_ =	shalt  }
0x51: {  	_ =	shalt  }
0x52: {  	_ =	shalt  }
0x53: {  	_ =	shalt  }
0x54: {  	_ =	shalt  }
0x55: {  	_ =	shalt  }
0x56: {  	_ =	shalt  }
0x57: {  	_ =	shalt  }
0x58: {  	_ =	shalt  }
0x59: {  	_ =	shalt  }
0x5a: {  	_ =	shalt  }
0x5b: {  	_ =	shalt  }
0x5c: {  	_ =	shalt  }
0x5d: {  	_ =	shalt  }
0x5e: {  	_ =	shalt  }
0x5f: {  	_ =	shalt  }
0x60: {  	_ =	shalt  }
0x61: {  	_ =	shalt  }
0x62: {  	_ =	shalt  }
0x63: {  	_ =	shalt  }
0x64: {  	_ =	shalt  }
0x65: {  	_ =	shalt  }
0x66: {  	_ =	shalt  }
0x67: {  	_ =	shalt  }
0x68: {  	_ =	shalt  }
0x69: {  	_ =	shalt  }
0x6a: {  	_ =	shalt  }
0x6b: {  	_ =	shalt  }
0x6c: {  	_ =	shalt  }
0x6d: {  	_ =	shalt  }
0x6e: {  	_ =	shalt  }
0x6f: {  	_ =	shalt  }
0x70: {  	_ =	shalt  }
0x71: {  	_ =	shalt  }
0x72: {  	_ =	shalt  }
0x73: {  	_ =	shalt  }
0x74: {  	_ =	shalt  }
0x75: {  	_ =	shalt  }
0x76: {  	_ =	shalt  }
0x77: {  	_ =	shalt  }
0x78: {  	_ =	shalt  }
0x79: {  	_ =	shalt  }
0x7a: {  	_ =	shalt  }
0x7b: {  	_ =	shalt  }
0x7c: {  	_ =	shalt  }
0x7d: {  	_ =	shalt  }
0x7e: {  	_ =	shalt  }
0x7f: {  	_ =	shalt  }
0x80: {  	_ =	shalt  }
0x81: {  	_ =	shalt  }
0x82: {  	_ =	shalt  }
0x83: {  	_ =	shalt  }
0x84: {  	_ =	shalt  }
0x85: {  	_ =	shalt  }
0x86: {  	_ =	shalt  }
0x87: {  	_ =	shalt  }
.Lfunc_end0:
.L_simem_size_0:
called_computation_lowered:
.L_overlay_start_0:
0x88: {  	s2 =	sld [smem:$0x3FD9]  }
0x89: {  	s3 =	sld [smem:$0x3FFE];
	_ =	sdelay $0x1  }
0x8a: {  	s1 =	srdreg.scid  }
0x8b: {  	s0 =	sand.u32 $0x1, s1  }
0x8c: {  	s17 =	sshll.u32 s0, $0xA;
	s2 =	sadd.s32 s3, s2  }
0x8d: {  	s2 =	sadd.s32 s2, s17  }
0x8e: {  	[smem:$0x3FC4] =	sst s2  }
0x8f: {  	_ = 	snop  }
0x90: {  	s2 =	sld [smem:$0x3FD0];
	(tm) =	ssettm $0x1  }
0x91: {  	s18 =	sld [smem:$0x3FFB];
	_ =	sdelay $0x3  }
0x92: {  	_ =	strace s18  }
0x93: {  	s3 =	sld [smem:$0x3FFC];
	_ =	sdelay $0x3  }
0x94: {  	_ =	strace s3  }
0x95: {  	s3 =	sld [smem:$0x3FFD];
	_ =	sdelay $0x3  }
0x96: {  	_ =	strace s3  }
0x97: {  	_ =	strace $0x8FFFFFFF  }
0x98: {  	s19 =	sld [smem:$0x3FDB];
	_ =	sdelay $0x1  }
0x99: {  	s4 =	simm.s32 $_scs_section_size  }
0x9a: {  	s5 =	simm.s32 $_size__tile_overlayer_lowered;
	s6 =	simm.s32 $_tile_overlayer_lowered  }
0x9b: {  	s22 =	simm.s32 $0x1BFF;
	s21 =	sshll.u32 s6, $0x1;
	s3 =	sadd.s32 s4, s19  }
0x9c: {  	s7 =	simm.s32 $0x0;
	s20 =	sshll.u32 s5, $0x1;
	s5 =	sadd.s32 s21, s3  }
0x9d: {  	[timem:s7], [sflag:s22] =	dma.local [hbm:s5], s20  }
0x9e: {  	_ =	swait.ge [sflag:s22], s20  }
0x9f: {  	s4 =	ssub.s32 $0x0, s20;
	[sflag:s22] =	ssyncset.done $0x0  }
0xa0: {  	[sflag:s22] =	ssyncadd.s32 s4;
	_ =	sdelay $0x1  }
0xa1: {  	s23 =	simm.s32 $0x1B8B  }
0xa2: {  	_ =	swait.ge [sflag:s23], $0x1  }
0xa3: {  	[sflag:s23] =	ssyncset.done $0x0  }
0xa4: {  	s25 =	simm.s32 $0x1B8E;
	s24 =	sld [smem:$0x3FFE];
	[sflag:s23] =	ssyncadd.s32 $0xFFFFFFFF  }
0xa5: {  	s26 =	simm.s32 $execute0_lowered;
	[smem:$0x3FD2] =	sst s25  }
0xa6: {  	s5 =	sshll.u32 s26, $0x1;
	_ =	strace $0x80000046;
	[dreg:$0x1] =	wrdreg $0xFFFFFFFF  }
0xa7: {  	s28 =	simm.s32 $_size_execute0_lowered;
	s3 =	sadd.s32 s3, s5;
	[dreg:$0x0] =	wrdreg $0x0  }
0xa8: {  	s5 =	sshll.u32 s28, $0x1;
	[dreg:$0x2] =	wrdreg s3  }
0xa9: {  	[dreg:$0x3] =	wrdreg s5  }
0xaa: {  	[dreg:$0x4] =	wrdreg $0xC0  }
0xab: {  	_ =	task [dreg:s7], $0x5FFFF  }
0xac: {  	[dreg:$0x1] =	wrdreg $0xFFFFFFFF  }
0xad: {  	[dreg:$0x0] =	wrdreg $0x60  }
0xae: {  	[dreg:$0x2] =	wrdreg s24  }
0xaf: {  	[dreg:$0x3] =	wrdreg s2  }
0xb0: {  	[dreg:$0x4] =	wrdreg $0x9  }
0xb1: {  	_ =	task.clear_ibuf [dreg:s7], $0x5FFFF;
	_ =	strace $0x90000046  }
0xb2: {  	s29 =	simm.s32 $0x9;
	_ =	strace $0x80000048  }
0xb3: {  	_ =	swait.ge [sflag:s29], $0x1  }
0xb4: {  	[sflag:s29] =	ssyncadd.s32 $0xFFFFFFFF  }
0xb5: {  	_ =	strace $0x90000048  }
0xb6: {  	_ =	sfence  }
0xb7: {  	s30 =	sld [smem:$0x0];
	_ =	sdelay $0x2  }
0xb8: {  	s31 =	sshll.u32 s1, $0xD;
	s1 =	sshrl.u32 s1, $0x2  }
0xb9: {  	s3 =	sand.u32 $0x4000, s31;
	s1 =	sadd.s32 s1, s30  }
0xba: {  	s0 =	sor.u32 s3, s0;
	s1 =	sshll.u32 s1, $0x11  }
0xbb: {  	s0 =	sor.u32 s1, s0  }
0xbc: {  	s0 =	sadd.s32 $0x8F2B, s0  }
0xbd: {  	[sflag:s0] =	ssyncadd.remote.s32 $0x1  }
0xbe: {  	_ =	sfence.sel $0xFFFF  }
0xbf: {  	[dreg:$0x0] =	wrdreg $0xFFFFFFFF;
	(pc) =	sbr.abs _section_cstart, $3  }
0xc0: {  	[dreg:$0x1] =	wrdreg $0xFFFFFFFF  }
0xc1: {  	_ =	task.clear_ibuf [dreg:s7], $0x2FFFF;
	_ =	strace $0x9FFFFFFF  }
0xc2: {  	(tm) =	ssettm $0x7FFFFFFF  }
0xc3: {  	_ =	shalt  }
tec
execute0_lowered:
.L_overlay_start_1:
0x0: {  	(tag) =	ssettag $0x1  }
0x1: {  	s4 =	rddreg [dreg:$0x0]  }
0x2: {  	s5 =	rddreg [dreg:$0x1]  }
0x3: {  	s0 =	rddreg [dreg:$0x2];
	s3 =	srdreg.scid  }
0x4: {  	s2 =	simm.s32 $0x0;
	s1 =	stileid.u32;
	s10 =	simm.s32 $0x10800  }
0x5: {  	s11 =	simm.s32 $0x1;
	s12 =	simm.s32 $0x0;
	s3 =	sand.u32 $0x1, s3  }
0x6: {  	[smem:$0x7FF] =	sst s2;
	s6 =	sshll.u32 s1, $0x10;
	s7 =	sshll.u32 s3, $0xF  }
0x7: {  	_ =	strace $0x80000047;
	s31 =	ssub.s32 $0x2, s3;
	s6 =	sor.u32 s7, s6  }
0x8: {  	v43 =	vlaneseq.u32;
	s3 =	sadd.s32 $0x20C00, s4;
	s9 =	sshrl.u32 s31, $0x1;
	s8 =	sshrl.u32 s6, $0x3  }
0x9: {  	v21 =	vmul.u32 $0x80, v43;
	s7 =	ssub.s32 s31, s9;
	s6 =	sshll.u32 s6, $0x4;
	s9 =	simm.s32 $0x8800  }
0xa: {  	s4 =	sadd.s32 s8, s4;
	s5 =	sadd.s32 s5, s6;
	s6 =	smax.u32 s7, $0x1  }
0xb: {  	[tilespmem:$0x1FFF0] =	vst v21;
	s7 =	simm.s32 $0x2;
	s8 =	simm.s32 $0x800;
	s4 =	sadd.s32 $0xC00, s4  }
.LBB2_1:
0xc: {  	[tilespmem:s2], [sflag:$0x2] =	stream.linear.gather [hbm4b:s3+s2], $0x800, $0x38;
	[tilespmem:$0x18800] =	vst v63  }
0xd: {  	_ =	swait.ge [sflag:s7], $0x800  }
0xe: {  	[sflag:s7] =	ssyncset.done $0x0  }
0xf: {  	[sflag:s7] =	ssyncadd.s32 $0xFFFFF800  }
0x10: {  	[tilespmem:s8], [sflag:$0x2] =	stream.linear.gather [hbm4b:s4+s2], $0x8000, $0x38;
	[tilespmem:$0x18800] =	vst v63  }
0x11: {  	_ =	swait.ge [sflag:s7], $0x8000  }
0x12: {  	[sflag:s7] =	ssyncset.done $0x0  }
0x13: {  	s13 =	simm.s32 $0x0;
	[sflag:s7] =	ssyncadd.s32 $0xFFFF8000  }
.LBB2_2:
0x14: {  	p0 =	seq.s32 s13, $0x0;
	s14 =	sshll.u32 s13, $0x9;
	s16 =	simm.s32 $0x0  }
0x15: {  	s15 =	simm.s32 @!p0 $0x1;
	s14 =	sand.u32 $0x3FFFFE00, s14;
	s17 =	sand.u32 $0xC, s16  }
0x16: {  	s18 =	sand.u32 $0x80, s16;
	_ =	swait.ge @!p0 [sflag:s15], $0x8000;
	s14 =	sadd.s32 $0x800, s14  }
0x17: {  	s16 =	sand.u32 $0x70, s16;
	[sflag:s15] =	ssyncset.done @!p0 $0x0;
	s18 =	sadd.s32 s18, s14  }
0x18: {  	[sflag:s15] =	ssyncadd.s32 @!p0 $0xFFFF8000;
	s22 =	sadd.s32 s16, s18  }
0x19: {  	v1 =	vld [tilespmem:s22+$0x0];
	_ =	sdelay $0x2  }
0x1a: {  	s19 =	sor.u32 $0x3, s17  }
0x1b: {  	s23 =	sor.u32 $0x2, s17;
	v35 =	vadd.s32 s17, v43;
	s17 =	sor.u32 $0x1, s17;
	v7 =	vadd.s32 s19, v43  }
0x1c: {  	v31 =	vadd.s32 s17, v43;
	v4 =	vand.u32 $0xF, v7;
	v1 =	vshll.u32 v1, $0x7  }
0x1d: {  	v18 =	vadd.s32 s23, v43;
	v44 =	vand.u32 $0xF, v31;
	v16 =	vor.u32 v4, v1  }
0x1e: {  	s24 =	simm.s32 $0x0;
	v48 =	vand.u32 $0xF, v35;
	v11 =	vor.u32 $0x10, v35;
	v19 =	vor.u32 v44, v1  }
0x1f: {  	v3 =	vand.u32 $0xF, v18;
	v5 =	vor.u32 $0x10, v31;
	s15 =	sand.u32 $0x7800, s24;
	v20 =	vor.u32 $0x10, v18  }
0x20: {  	v33 =	vor.u32 $0x10, v7;
	v9 =	vor.u32 $0x20, v3;
	v2 =	vor.u32 s15, v21  }
0x21: {  	v10 =	vor.u32 $0x20, v4;
	v12 =	vor.u32 $0x40, v4;
	v15 =	vor.u32 v2, v44  }
0x22: {  	v22 =	vor.u32 v2, v9;
	v32 =	vor.u32 v2, v4;
	v24 =	vor.u32 v48, v1;
	v16 =	vld.idx.msk [tilespmem:v16+s2+$0x0], $0xffff  }
0x23: {  	v25 =	vor.u32 v11, v2;
	v23 =	vor.u32 v11, v1;
	v11 =	vor.u32 v3, v1;
	v19 =	vld.idx.msk [tilespmem:v19+s2+$0x0], $0xffff  }
0x24: {  	v54 =	vmovc v21;
	v17 =	vor.u32 v2, v3;
	v21 =	vor.u32 v48, v2;
	v37 =	vor.u32 v33, v1  }
0x25: {  	v39 =	vor.u32 v2, v20;
	v40 =	vor.u32 v2, v10;
	v29 =	vor.u32 v20, v1  }
0x26: {  	v34 =	vor.u32 v10, v1;
	v36 =	vor.u32 v5, v1;
	v20 =	vor.u32 v2, v33  }
0x27: {  	v33 =	vor.u32 v2, v12;
	v10 =	vor.u32 $0x60, v3;
	v24 =	vld.idx.msk [tilespmem:v24+s2+$0x0], $0xffff;
	[tilespmem:v32+s9+$0x0] =	vst.idx.msk $0xffff, v16  }
0x28: {  	v41 =	vor.u32 v9, v1;
	v9 =	vld.idx.msk [tilespmem:v11+s2+$0x0], $0xffff;
	v11 =	vor.u32 v10, v1;
	[tilespmem:v15+s9+$0x0] =	vst.idx.msk $0xffff, v19  }
0x29: {  	v0 =	vor.u32 $0x30, v7;
	v10 =	vor.u32 v2, v10;
	v32 =	vor.u32 v12, v1;
	v12 =	vld.idx.msk [tilespmem:v37+s2+$0x0], $0xffff;
	[tilespmem:$0x1FF50] =	vst v11  }
0x2a: {  	v8 =	vor.u32 $0x20, v48;
	v13 =	vor.u32 $0x30, v31;
	v6 =	vor.u32 $0x20, v44;
	[tilespmem:$0x1FF60] =	vst v10  }
0x2b: {  	v52 =	vor.u32 v2, v8;
	v5 =	vor.u32 v2, v5;
	v15 =	vor.u32 $0x50, v35;
	v10 =	vld.idx.msk [tilespmem:v36+s2+$0x0], $0xffff  }
0x2c: {  	v28 =	vor.u32 v2, v6;
	v36 =	vor.u32 $0x60, v4;
	[tilespmem:v21+s9+$0x0] =	vst.idx.msk $0xffff, v24;
	v4 =	vor.u32 v15, v2  }
0x2d: {  	v30 =	vor.u32 v2, v13;
	v8 =	vor.u32 v8, v1;
	v6 =	vor.u32 v6, v1;
	[tilespmem:$0x1FF70] =	vst v4  }
0x2e: {  	v42 =	vor.u32 v0, v1;
	v38 =	vor.u32 v13, v1;
	[tilespmem:v17+s9+$0x0] =	vst.idx.msk $0xffff, v9  }
0x2f: {  	v11 =	vor.u32 v15, v1;
	v15 =	vld.idx.msk [tilespmem:v23+s2+$0x0], $0xffff;
	[tilespmem:v20+s9+$0x0] =	vst.idx.msk $0xffff, v12;
	v20 =	vor.u32 $0x50, v18  }
0x30: {  	v13 =	vor.u32 $0x30, v18;
	v34 =	vld.idx.msk [tilespmem:v34+s2+$0x0], $0xffff;
	[tilespmem:v5+s9+$0x0] =	vst.idx.msk $0xffff, v10;
	v5 =	vor.u32 v2, v20  }
0x31: {  	v46 =	vor.u32 v2, v13;
	v37 =	vor.u32 v13, v1;
	v13 =	vor.u32 $0x50, v31;
	[tilespmem:$0x1FF80] =	vst v5  }
0x32: {  	v5 =	vor.u32 v2, v13;
	v49 =	vld.idx.msk [tilespmem:v6+s2+$0x0], $0xffff  }
0x33: {  	v60 =	vor.u32 $0x70, v18;
	v14 =	vor.u32 $0x40, v44;
	v29 =	vld.idx.msk [tilespmem:v29+s2+$0x0], $0xffff;
	[tilespmem:$0x1FF90] =	vst v5  }
0x34: {  	s15 =	simm.s32 $0x4;
	v51 =	vor.u32 v2, v14;
	v26 =	vor.u32 v2, v60;
	[tilespmem:v25+s9+$0x0] =	vst.idx.msk $0xffff, v15  }
0x35: {  	s28 =	sand.u32 $0x80, s15;
	v45 =	vor.u32 v14, v1;
	v3 =	vor.u32 $0x40, v3;
	v16 =	vor.u32 $0x30, v35;
	v8 =	vld.idx.msk [tilespmem:v8+s2+$0x0], $0xffff;
	[tilespmem:v40+s9+$0x0] =	vst.idx.msk $0xffff, v34  }
0x36: {  	s29 =	sand.u32 $0x70, s15;
	s17 =	sadd.s32 s28, s14;
	v0 =	vor.u32 v2, v0;
	v19 =	vor.u32 $0x50, v7;
	v27 =	vor.u32 v16, v2;
	v34 =	vld.idx.msk [tilespmem:v42+s2+$0x0], $0xffff  }
0x37: {  	s17 =	sadd.s32 s29, s17;
	v50 =	vor.u32 v19, v1;
	v12 =	vor.u32 v2, v3;
	[tilespmem:v28+s9+$0x0] =	vst.idx.msk $0xffff, v49  }
0x38: {  	v5 =	vor.u32 v3, v1;
	v3 =	vor.u32 v36, v1;
	v25 =	vld [tilespmem:s17+$0x0];
	[tilespmem:v39+s9+$0x0] =	vst.idx.msk $0xffff, v29  }
0x39: {  	s25 =	sand.u32 $0xC, s15;
	v24 =	vor.u32 $0x40, v48;
	v53 =	vor.u32 v13, v1;
	v23 =	vor.u32 v16, v1;
	[tilespmem:$0x1FFA0] =	vst v3  }
0x3a: {  	s26 =	sor.u32 $0x3, s25;
	v44 =	vor.u32 $0x60, v44;
	v4 =	vadd.s32 s25, v43;
	v47 =	vor.u32 v24, v1;
	v29 =	vld.idx.msk [tilespmem:v38+s2+$0x0], $0xffff;
	[tilespmem:v52+s9+$0x0] =	vst.idx.msk $0xffff, v8  }
0x3b: {  	s16 =	sor.u32 $0x1, s25;
	v58 =	vor.u32 v2, v24;
	v9 =	vadd.s32 s26, v43;
	v3 =	vor.u32 $0x70, v7;
	[tilespmem:v0+s9+$0x0] =	vst.idx.msk $0xffff, v34  }
0x3c: {  	v17 =	vadd.s32 s16, v43;
	v57 =	vand.u32 $0xF, v9;
	v38 =	vld.idx.msk [tilespmem:v41+s2+$0x0], $0xffff;
	v0 =	vor.u32 v3, v1;
	[tilespmem:$0x1FFB0] =	vst v3  }
0x3d: {  	v15 =	vor.u32 v20, v1;
	v20 =	vor.u32 v2, v19;
	v19 =	vshll.u32 v25, $0x7;
	[tilespmem:$0x1FFC0] =	vst v0  }
0x3e: {  	s30 =	sor.u32 $0x2, s25;
	v14 =	vand.u32 $0xF, v4;
	v16 =	vand.u32 $0xF, v17;
	v52 =	vor.u32 v57, v19;
	v0 =	vld.idx.msk [tilespmem:v23+s2+$0x0], $0xffff  }
0x3f: {  	v61 =	vor.u32 $0x40, v57;
	v10 =	vadd.s32 s30, v43;
	v18 =	vld.idx.msk [tilespmem:v32+s2+$0x0], $0xffff;
	[tilespmem:v30+s9+$0x0] =	vst.idx.msk $0xffff, v29;
	v30 =	vor.u32 v14, v19  }
0x40: {  	v43 =	vmovc v4;
	v4 =	vor.u32 $0x10, v4;
	v13 =	vor.u32 $0x30, v9;
	v21 =	vand.u32 $0xF, v10;
	s17 =	simm.s32 $0x200;
	v59 =	vld.idx.msk [tilespmem:v45+s2+$0x0], $0xffff  }
0x41: {  	v63 =	vor.u32 $0x10, v10;
	v56 =	vor.u32 $0x60, v21;
	s31 =	sand.u32 $0x7800, s17;
	v42 =	vor.u32 $0x20, v21;
	[tilespmem:v22+s9+$0x0] =	vst.idx.msk $0xffff, v38  }
0x42: {  	v8 =	vor.u32 v63, v19;
	v34 =	vor.u32 v16, v19;
	v23 =	vor.u32 s31, v54;
	v37 =	vld.idx.msk [tilespmem:v37+s2+$0x0], $0xffff  }
0x43: {  	v3 =	vor.u32 v4, v19;
	v55 =	vor.u32 v23, v57;
	v52 =	vld.idx.msk [tilespmem:v52+s2+$0x0], $0xffff;
	[tilespmem:v27+s9+$0x0] =	vst.idx.msk $0xffff, v0  }
0x44: {  	v28 =	vor.u32 $0x10, v17;
	v45 =	vor.u32 v14, v23;
	[tilespmem:v33+s9+$0x0] =	vst.idx.msk $0xffff, v18;
	v33 =	vor.u32 $0x30, v17;
	v30 =	vld.idx.msk [tilespmem:v30+s2+$0x0], $0xffff  }
0x45: {  	v41 =	vor.u32 $0x20, v14;
	v54 =	vor.u32 v4, v23;
	v4 =	vor.u32 v23, v33;
	[tilespmem:v51+s9+$0x0] =	vst.idx.msk $0xffff, v59  }
0x46: {  	v40 =	vor.u32 v23, v16;
	v22 =	vor.u32 v23, v42;
	v0 =	vor.u32 v21, v19;
	[tilespmem:$0x1FFD0] =	vst v4  }
0x47: {  	v39 =	vor.u32 $0x20, v16;
	v62 =	vor.u32 v23, v21;
	v29 =	vor.u32 v23, v41;
	[tilespmem:v46+s9+$0x0] =	vst.idx.msk $0xffff, v37  }
0x48: {  	v32 =	vor.u32 v23, v39;
	v38 =	vor.u32 v28, v19;
	v18 =	vor.u32 $0x10, v9;
	[tilespmem:v55+s9+$0x0] =	vst.idx.msk $0xffff, v52  }
0x49: {  	v49 =	vor.u32 $0x20, v57;
	v6 =	vor.u32 v23, v61;
	v27 =	vor.u32 v23, v18;
	[tilespmem:v45+s9+$0x0] =	vst.idx.msk $0xffff, v30  }
0x4a: {  	v25 =	vor.u32 $0x40, v16;
	v59 =	vor.u32 v49, v19;
	v52 =	vor.u32 v23, v28;
	v28 =	vld.idx.msk [tilespmem:v47+s2+$0x0], $0xffff;
	[tilespmem:$0x1FFE0] =	vst v6  }
0x4b: {  	v37 =	vor.u32 v18, v19;
	v47 =	vor.u32 v23, v63;
	v63 =	vor.u32 v41, v19;
	v41 =	vld.idx.msk [tilespmem:v0+s2+$0x0], $0xffff  }
0x4c: {  	v51 =	vor.u32 v23, v49;
	v55 =	vor.u32 v39, v19;
	v46 =	vor.u32 v42, v19;
	v49 =	vld.idx.msk [tilespmem:v34+s2+$0x0], $0xffff  }
0x4d: {  	v42 =	vor.u32 v33, v19;
	v33 =	vor.u32 v61, v19;
	v61 =	vor.u32 v44, v1;
	v5 =	vld.idx.msk [tilespmem:v5+s2+$0x0], $0xffff  }
0x4e: {  	v45 =	vor.u32 v13, v19;
	v30 =	vor.u32 v25, v19;
	v34 =	vor.u32 v2, v36;
	v0 =	vld.idx.msk [tilespmem:v53+s2+$0x0], $0xffff  }
0x4f: {  	v36 =	vor.u32 v56, v19;
	v39 =	vld.idx.msk [tilespmem:v3+s2+$0x0], $0xffff;
	v3 =	vor.u32 $0x70, v35;
	[tilespmem:v58+s9+$0x0] =	vst.idx.msk $0xffff, v28  }
0x50: {  	v28 =	vor.u32 v23, v56;
	v53 =	vld.idx.msk [tilespmem:v37+s2+$0x0], $0xffff;
	v37 =	vor.u32 $0x70, v31;
	v31 =	vor.u32 v60, v1  }
0x51: {  	v56 =	vor.u32 $0x30, v10;
	v58 =	vor.u32 $0x60, v48;
	v48 =	vor.u32 v3, v1;
	[tilespmem:v62+s9+$0x0] =	vst.idx.msk $0xffff, v41;
	v62 =	vld.idx.msk [tilespmem:v50+s2+$0x0], $0xffff  }
0x52: {  	v35 =	vor.u32 v3, v2;
	v60 =	vor.u32 v2, v58;
	[tilespmem:v12+s9+$0x0] =	vst.idx.msk $0xffff, v5;
	v5 =	vld.idx.msk [tilespmem:v11+s2+$0x0], $0xffff  }
0x53: {  	v58 =	vor.u32 v58, v1;
	v41 =	vor.u32 v37, v1;
	[tilespmem:v40+s9+$0x0] =	vst.idx.msk $0xffff, v49;
	v3 =	vld.idx.msk [tilespmem:v8+s2+$0x0], $0xffff  }
0x54: {  	v40 =	vor.u32 v56, v19;
	v49 =	vor.u32 $0x50, v43;
	v1 =	vor.u32 v2, v44;
	v38 =	vld.idx.msk [tilespmem:v38+s2+$0x0], $0xffff  }
0x55: {  	s16 =	sshll.u32 s13, $0x1;
	[tilespmem:v27+s9+$0x0] =	vst.idx.msk $0xffff, v53;
	v53 =	vor.u32 $0x50, v9;
	v27 =	vor.u32 $0x60, v57;
	v50 =	vor.u32 v49, v23;
	v57 =	vld.idx.msk [tilespmem:v15+s2+$0x0], $0xffff  }
.LBB2_3:
0x56: {  	v6 =	vmov v14  }
0x57: {  	[tilespmem:$0x1FF10] =	vst v6;
	v6 =	vld [tilespmem:$0x1FF90];
	_ =	sdelay $0x7  }
0x58: {  	[tilespmem:v6+s9+$0x0] =	vst.idx.msk $0xffff, v0;
	v0 =	vld [tilespmem:$0x1FF70]  }
0x59: {  	v7 =	vor.u32 v49, v19  }
0x5a: {  	[tilespmem:$0x1FF20] =	vst v7;
	v7 =	vld [tilespmem:$0x1FFA0];
	_ =	sdelay $0x3  }
0x5b: {  	[tilespmem:v54+s9+$0x0] =	vst.idx.msk $0xffff, v39  }
0x5c: {  	v59 =	vld.idx.msk [tilespmem:v59+s2+$0x0], $0xffff;
	[tilespmem:v20+s9+$0x0] =	vst.idx.msk $0xffff, v62  }
0x5d: {  	v8 =	vmov v2;
	v2 =	vmov v23;
	v23 =	vld.idx.msk [tilespmem:v63+s2+$0x0], $0xffff;
	[tilespmem:v0+s9+$0x0] =	vst.idx.msk $0xffff, v5;
	v0 =	vmov v50  }
0x5e: {  	[tilespmem:$0x1FF70] =	vst v0;
	v0 =	vor.u32 $0x50, v17  }
0x5f: {  	v15 =	vld.idx.msk [tilespmem:v7+s2+$0x0], $0xffff;
	v7 =	vor.u32 v2, v0  }
0x60: {  	[tilespmem:$0x1FF90] =	vst v7;
	v7 =	vld [tilespmem:$0x1FF80];
	_ =	sdelay $0x7  }
0x61: {  	s15 =	sadd.s32 $0x4, s15;
	[tilespmem:v7+s9+$0x0] =	vst.idx.msk $0xffff, v57;
	v7 =	vld [tilespmem:$0x1FF50]  }
0x62: {  	s18 =	sand.u32 $0xC, s15  }
0x63: {  	s21 =	sor.u32 $0x3, s18;
	v6 =	vlaneseq.u32  }
0x64: {  	v44 =	vmov v19;
	s30 =	sor.u32 $0x1, s18;
	v49 =	vadd.s32 s18, v6;
	s18 =	sor.u32 $0x2, s18;
	v12 =	vadd.s32 s21, v6;
	v5 =	vld.idx.msk [tilespmem:v61+s2+$0x0], $0xffff;
	[tilespmem:v52+s9+$0x0] =	vst.idx.msk $0xffff, v38  }
0x65: {  	v62 =	vadd.s32 s30, v6;
	v38 =	vld.idx.msk [tilespmem:v55+s2+$0x0], $0xffff;
	v55 =	vadd.s32 s18, v6;
	v6 =	vor.u32 v27, v44  }
0x66: {  	[tilespmem:$0x1FFA0] =	vst v6;
	v6 =	vld [tilespmem:$0x1FF60];
	_ =	sdelay $0x1  }
0x67: {  	v4 =	vmov v16  }
0x68: {  	[tilespmem:$0x1FF30] =	vst v4;
	v50 =	vmov v17;
	v17 =	vor.u32 v2, v25;
	v25 =	vld.idx.msk [tilespmem:v7+s2+$0x0], $0xffff  }
0x69: {  	[tilespmem:v51+s9+$0x0] =	vst.idx.msk $0xffff, v59  }
0x6a: {  	[tilespmem:v47+s9+$0x0] =	vst.idx.msk $0xffff, v3;
	v3 =	vmov v36  }
0x6b: {  	v24 =	vor.u32 $0x40, v21;
	[tilespmem:$0x1FF50] =	vst v3  }
0x6c: {  	v4 =	vor.u32 v2, v24;
	v3 =	vor.u32 v24, v44;
	v24 =	vld.idx.msk [tilespmem:v45+s2+$0x0], $0xffff;
	[tilespmem:v34+s9+$0x0] =	vst.idx.msk $0xffff, v15  }
0x6d: {  	v15 =	vld.idx.msk [tilespmem:v46+s2+$0x0], $0xffff;
	[tilespmem:v6+s9+$0x0] =	vst.idx.msk $0xffff, v25;
	v6 =	vmov v28  }
0x6e: {  	[tilespmem:$0x1FF60] =	vst v6;
	v6 =	vld [tilespmem:$0x1FFB0];
	_ =	sdelay $0x2  }
0x6f: {  	v39 =	vor.u32 $0x30, v43  }
0x70: {  	v11 =	vor.u32 v39, v19  }
0x71: {  	v59 =	vor.u32 v8, v37;
	v19 =	vld.idx.msk [tilespmem:v58+s2+$0x0], $0xffff;
	v8 =	vor.u32 v8, v6;
	v6 =	vor.u32 $0x70, v9  }
0x72: {  	v7 =	vld [tilespmem:$0x1FFC0];
	[tilespmem:$0x1FFB0] =	vst v6;
	v6 =	vor.u32 v6, v44  }
0x73: {  	s19 =	sand.u32 $0x80, s15;
	[tilespmem:$0x1FFC0] =	vst v6;
	v6 =	vld [tilespmem:$0x1FFF0]  }
0x74: {  	s20 =	sand.u32 $0x70, s15;
	s19 =	sadd.s32 s19, s14  }
0x75: {  	s19 =	sadd.s32 s20, s19  }
0x76: {  	s17 =	sadd.s32 $0x200, s17;
	v51 =	vld [tilespmem:s19+$0x0];
	[tilespmem:v60+s9+$0x0] =	vst.idx.msk $0xffff, v19  }
0x77: {  	s31 =	sand.u32 $0x7800, s17;
	[tilespmem:v1+s9+$0x0] =	vst.idx.msk $0xffff, v5;
	v19 =	vld.idx.msk [tilespmem:v48+s2+$0x0], $0xffff  }
0x78: {  	[tilespmem:v29+s9+$0x0] =	vst.idx.msk $0xffff, v23;
	v23 =	vor.u32 s31, v6;
	v6 =	vld [tilespmem:$0x1FFD0]  }
0x79: {  	v47 =	vld.idx.msk [tilespmem:v41+s2+$0x0], $0xffff  }
0x7a: {  	v52 =	vor.u32 v2, v13;
	[tilespmem:v32+s9+$0x0] =	vst.idx.msk $0xffff, v38  }
0x7b: {  	[tilespmem:$0x1FF00] =	vst v43;
	v42 =	vld.idx.msk [tilespmem:v42+s2+$0x0], $0xffff  }
0x7c: {  	[tilespmem:v35+s9+$0x0] =	vst.idx.msk $0xffff, v19  }
0x7d: {  	v39 =	vor.u32 v39, v2;
	[tilespmem:$0x1FF40] =	vst v4;
	v11 =	vld.idx.msk [tilespmem:v11+s2+$0x0], $0xffff  }
0x7e: {  	v54 =	vor.u32 $0x40, v14;
	v43 =	vmov v26;
	v63 =	vor.u32 $0x50, v10;
	[tilespmem:v59+s9+$0x0] =	vst.idx.msk $0xffff, v47  }
0x7f: {  	v16 =	vor.u32 v2, v63;
	v14 =	vand.u32 $0xF, v49;
	v19 =	vshll.u32 v51, $0x7;
	v29 =	vld.idx.msk [tilespmem:v31+s2+$0x0], $0xffff;
	[tilespmem:v52+s9+$0x0] =	vst.idx.msk $0xffff, v24  }
0x80: {  	v4 =	vmov v16;
	[tilespmem:v6+s9+$0x0] =	vst.idx.msk $0xffff, v42;
	v42 =	vor.u32 v14, v19  }
0x81: {  	v61 =	vor.u32 v54, v44;
	v58 =	vand.u32 $0xF, v12;
	[tilespmem:$0x1FF80] =	vst v4;
	v4 =	vor.u32 v2, v53;
	v31 =	vld.idx.msk [tilespmem:v7+s2+$0x0], $0xffff  }
0x82: {  	v1 =	vor.u32 $0x10, v62;
	v57 =	vor.u32 v63, v44;
	v51 =	vld [tilespmem:$0x1FFE0];
	[tilespmem:v39+s9+$0x0] =	vst.idx.msk $0xffff, v11;
	v45 =	vor.u32 v58, v19  }
0x83: {  	v35 =	vor.u32 $0x30, v62;
	v11 =	vor.u32 v1, v19;
	[tilespmem:v22+s9+$0x0] =	vst.idx.msk $0xffff, v15;
	v33 =	vld.idx.msk [tilespmem:v33+s2+$0x0], $0xffff;
	v9 =	vor.u32 $0x10, v49  }
0x84: {  	v38 =	vor.u32 v53, v44;
	v40 =	vld.idx.msk [tilespmem:v40+s2+$0x0], $0xffff;
	[tilespmem:v43+s9+$0x0] =	vst.idx.msk $0xffff, v29;
	v20 =	vor.u32 v23, v35  }
0x85: {  	v53 =	vor.u32 v2, v54;
	[tilespmem:$0x1FFD0] =	vst v20;
	v6 =	vor.u32 v14, v23;
	v20 =	vld.idx.msk [tilespmem:v42+s2+$0x0], $0xffff  }
0x86: {  	v7 =	vor.u32 v9, v19;
	[tilespmem:v8+s9+$0x0] =	vst.idx.msk $0xffff, v31;
	v54 =	vor.u32 v9, v23;
	v9 =	vmov v12  }
0x87: {  	v43 =	vor.u32 v23, v58;
	v52 =	vor.u32 v23, v1;
	v1 =	vld.idx.msk [tilespmem:v45+s2+$0x0], $0xffff;
	v63 =	vor.u32 $0x10, v9  }
0x88: {  	v39 =	vor.u32 v63, v19  }
0x89: {  	v61 =	vld.idx.msk [tilespmem:v61+s2+$0x0], $0xffff  }
0x8a: {  	[tilespmem:v6+s9+$0x0] =	vst.idx.msk $0xffff, v20;
	v20 =	vmov v4;
	v4 =	vld [tilespmem:$0x1FF10]  }
0x8b: {  	v21 =	vand.u32 $0xF, v55;
	[tilespmem:v51+s9+$0x0] =	vst.idx.msk $0xffff, v33  }
0x8c: {  	v56 =	vor.u32 v2, v56;
	v31 =	vor.u32 v21, v19;
	[tilespmem:v43+s9+$0x0] =	vst.idx.msk $0xffff, v1  }
0x8d: {  	v6 =	vld.idx.msk [tilespmem:v39+s2+$0x0], $0xffff  }
0x8e: {  	v16 =	vand.u32 $0xF, v62;
	v60 =	vor.u32 $0x70, v10;
	v48 =	vor.u32 $0x40, v58;
	v39 =	vld.idx.msk [tilespmem:v7+s2+$0x0], $0xffff  }
0x8f: {  	v10 =	vmovc v55;
	v36 =	vor.u32 $0x10, v55;
	v55 =	vor.u32 v23, v48;
	v7 =	vor.u32 $0x60, v4;
	v4 =	vld [tilespmem:$0x1FF20]  }
0x90: {  	v5 =	vor.u32 $0x20, v16;
	[tilespmem:$0x1FFE0] =	vst v55  }
0x91: {  	v32 =	vor.u32 v23, v5;
	v55 =	vor.u32 v5, v19;
	v5 =	vld.idx.msk [tilespmem:v31+s2+$0x0], $0xffff;
	[tilespmem:v56+s9+$0x0] =	vst.idx.msk $0xffff, v40  }
0x92: {  	v13 =	vor.u32 $0x30, v12;
	v15 =	vor.u32 v23, v21;
	v1 =	vld.idx.msk [tilespmem:v3+s2+$0x0], $0xffff  }
0x93: {  	v0 =	vor.u32 v0, v44;
	v37 =	vor.u32 $0x20, v21;
	v26 =	vor.u32 v2, v60;
	v30 =	vld.idx.msk [tilespmem:v30+s2+$0x0], $0xffff  }
0x94: {  	v41 =	vor.u32 $0x20, v58;
	v34 =	vor.u32 $0x20, v14;
	v12 =	vor.u32 v16, v19;
	v3 =	vld [tilespmem:$0x1FF00]  }
0x95: {  	v46 =	vor.u32 v37, v19;
	v59 =	vor.u32 v41, v19;
	v8 =	vor.u32 v36, v19  }
0x96: {  	v28 =	vor.u32 $0x60, v21;
	v18 =	vor.u32 v23, v16;
	v24 =	vor.u32 v23, v37;
	[tilespmem:v53+s9+$0x0] =	vst.idx.msk $0xffff, v61  }
0x97: {  	v29 =	vor.u32 v23, v34;
	v47 =	vor.u32 v23, v36;
	[tilespmem:v15+s9+$0x0] =	vst.idx.msk $0xffff, v5;
	v5 =	vld.idx.msk [tilespmem:v4+s2+$0x0], $0xffff  }
0x98: {  	v25 =	vor.u32 $0x40, v16;
	v51 =	vor.u32 v23, v41;
	v45 =	vor.u32 v13, v19;
	[tilespmem:v17+s9+$0x0] =	vst.idx.msk $0xffff, v30;
	v4 =	vld [tilespmem:$0x1FF40]  }
0x99: {  	v33 =	vor.u32 v48, v19;
	v22 =	vor.u32 v23, v63;
	v3 =	vor.u32 $0x70, v3;
	v12 =	vld.idx.msk [tilespmem:v12+s2+$0x0], $0xffff  }
0x9a: {  	v48 =	vor.u32 v3, v44;
	v42 =	vor.u32 v35, v19;
	v35 =	vor.u32 v3, v2;
	v3 =	vld [tilespmem:$0x1FF30]  }
0x9b: {  	v36 =	vor.u32 v28, v19;
	v28 =	vor.u32 v23, v28;
	v37 =	vor.u32 $0x70, v50  }
0x9c: {  	p1 =	slt.u32 s15, $0xFC;
	v41 =	vor.u32 v37, v44;
	v63 =	vor.u32 v34, v19;
	v34 =	vor.u32 v2, v27;
	v43 =	vmovc v49  }
.Ltmp0:
0x9d: {  	v31 =	vor.u32 v60, v44;
	v56 =	vor.u32 $0x30, v10;
	v49 =	vor.u32 $0x50, v43;
	v17 =	vmovc v62;
	v62 =	vld.idx.msk [tilespmem:v38+s2+$0x0], $0xffff;
	(pc) =	sbr.rel @p1 .LBB2_3-.Ltmp0, $4  }
0x9e: {  	v40 =	vor.u32 v56, v19;
	v50 =	vor.u32 v49, v23;
	v0 =	vld.idx.msk [tilespmem:v0+s2+$0x0], $0xffff;
	[tilespmem:v18+s9+$0x0] =	vst.idx.msk $0xffff, v12  }
0x9f: {  	v27 =	vor.u32 $0x60, v58;
	v30 =	vor.u32 v25, v19;
	v15 =	vor.u32 $0x60, v3;
	v3 =	vld.idx.msk [tilespmem:v8+s2+$0x0], $0xffff;
	[tilespmem:v22+s9+$0x0] =	vst.idx.msk $0xffff, v6  }
0xa0: {  	v61 =	vor.u32 v15, v44;
	v53 =	vor.u32 $0x50, v9;
	v38 =	vld.idx.msk [tilespmem:v11+s2+$0x0], $0xffff;
	v22 =	vmov v24;
	[tilespmem:v4+s9+$0x0] =	vst.idx.msk $0xffff, v1  }
0xa1: {  	v60 =	vor.u32 v2, v7;
	v58 =	vor.u32 v7, v44;
	v1 =	vor.u32 v2, v15;
	v57 =	vld.idx.msk [tilespmem:v57+s2+$0x0], $0xffff  }
0xa2: {  	_ =	sdelay $0x3  }
0xa3: {  	[tilespmem:v54+s9+$0x0] =	vst.idx.msk $0xffff, v39  }
0xa4: {  	[tilespmem:v47+s9+$0x0] =	vst.idx.msk $0xffff, v3  }
0xa5: {  	[tilespmem:v52+s9+$0x0] =	vst.idx.msk $0xffff, v38  }
0xa6: {  	v15 =	vld [tilespmem:$0x1FF90];
	_ =	sdelay $0x5  }
0xa7: {  	v7 =	vld.idx.msk [tilespmem:v63+s2+$0x0], $0xffff  }
0xa8: {  	v3 =	vld.idx.msk [tilespmem:v46+s2+$0x0], $0xffff  }
0xa9: {  	v11 =	vld.idx.msk [tilespmem:v55+s2+$0x0], $0xffff;
	[tilespmem:v15+s9+$0x0] =	vst.idx.msk $0xffff, v0  }
0xaa: {  	v0 =	vld [tilespmem:$0x1FF70]  }
0xab: {  	v12 =	vld.idx.msk [tilespmem:v59+s2+$0x0], $0xffff;
	_ =	sdelay $0x1  }
0xac: {  	[tilespmem:v29+s9+$0x0] =	vst.idx.msk $0xffff, v7  }
0xad: {  	[tilespmem:v32+s9+$0x0] =	vst.idx.msk $0xffff, v11  }
0xae: {  	v6 =	vor.u32 $0x30, v43;
	[tilespmem:v22+s9+$0x0] =	vst.idx.msk $0xffff, v3  }
0xaf: {  	v8 =	vor.u32 v6, v19;
	[tilespmem:v51+s9+$0x0] =	vst.idx.msk $0xffff, v12  }
0xb0: {  	[tilespmem:v20+s9+$0x0] =	vst.idx.msk $0xffff, v62  }
0xb1: {  	[tilespmem:v0+s9+$0x0] =	vst.idx.msk $0xffff, v5  }
0xb2: {  	v20 =	vld [tilespmem:$0x1FF80];
	_ =	sdelay $0x1  }
0xb3: {  	v5 =	vor.u32 v6, v23;
	v6 =	vld.idx.msk [tilespmem:v8+s2+$0x0], $0xffff;
	_ =	sdelay $0x4  }
0xb4: {  	[tilespmem:v5+s9+$0x0] =	vst.idx.msk $0xffff, v6  }
0xb5: {  	[tilespmem:v20+s9+$0x0] =	vst.idx.msk $0xffff, v57  }
0xb6: {  	v6 =	vld [tilespmem:$0x1FFD0]  }
0xb7: {  	v3 =	vor.u32 v23, v56;
	v11 =	vor.u32 $0x40, v21;
	v12 =	vld.idx.msk [tilespmem:v40+s2+$0x0], $0xffff  }
0xb8: {  	v13 =	vor.u32 v23, v13;
	v4 =	vmovc v17;
	v15 =	vor.u32 v11, v19;
	v17 =	vld.idx.msk [tilespmem:v45+s2+$0x0], $0xffff;
	v0 =	vor.u32 $0x40, v14  }
0xb9: {  	v8 =	vld.idx.msk [tilespmem:v42+s2+$0x0], $0xffff;
	v7 =	vor.u32 v0, v19  }
0xba: {  	v18 =	vld.idx.msk [tilespmem:v58+s2+$0x0], $0xffff;
	_ =	sdelay $0x1  }
0xbb: {  	v20 =	vld.idx.msk [tilespmem:v61+s2+$0x0], $0xffff;
	[tilespmem:v3+s9+$0x0] =	vst.idx.msk $0xffff, v12  }
0xbc: {  	[tilespmem:v13+s9+$0x0] =	vst.idx.msk $0xffff, v17;
	v12 =	vld.idx.msk [tilespmem:v15+s2+$0x0], $0xffff  }
0xbd: {  	v3 =	vor.u32 v23, v11;
	[tilespmem:v6+s9+$0x0] =	vst.idx.msk $0xffff, v8;
	v6 =	vld.idx.msk [tilespmem:v7+s2+$0x0], $0xffff  }
0xbe: {  	v0 =	vor.u32 v23, v0;
	[tilespmem:v60+s9+$0x0] =	vst.idx.msk $0xffff, v18;
	v22 =	vld.idx.msk [tilespmem:v30+s2+$0x0], $0xffff  }
0xbf: {  	v21 =	vor.u32 v23, v25;
	v17 =	vld [tilespmem:$0x1FFA0];
	_ =	sdelay $0x1  }
0xc0: {  	[tilespmem:v1+s9+$0x0] =	vst.idx.msk $0xffff, v20  }
0xc1: {  	v18 =	vld [tilespmem:$0x1FF50];
	[tilespmem:v3+s9+$0x0] =	vst.idx.msk $0xffff, v12  }
0xc2: {  	[tilespmem:v0+s9+$0x0] =	vst.idx.msk $0xffff, v6  }
0xc3: {  	v7 =	vor.u32 $0x50, v10;
	[tilespmem:v21+s9+$0x0] =	vst.idx.msk $0xffff, v22  }
0xc4: {  	v13 =	vor.u32 v7, v19;
	v3 =	vor.u32 v23, v7;
	v7 =	vld [tilespmem:$0x1FFE0];
	_ =	sdelay $0x1  }
0xc5: {  	v17 =	vld.idx.msk [tilespmem:v17+s2+$0x0], $0xffff  }
0xc6: {  	v15 =	vld.idx.msk [tilespmem:v33+s2+$0x0], $0xffff;
	_ =	sdelay $0x2  }
0xc7: {  	v5 =	vor.u32 v49, v19  }
0xc8: {  	v8 =	vor.u32 $0x50, v4;
	[tilespmem:v34+s9+$0x0] =	vst.idx.msk $0xffff, v17  }
0xc9: {  	v11 =	vor.u32 v8, v19;
	[tilespmem:v7+s9+$0x0] =	vst.idx.msk $0xffff, v15  }
0xca: {  	v17 =	vld [tilespmem:$0x1FF60];
	_ =	sdelay $0x1  }
0xcb: {  	v1 =	vor.u32 v53, v19;
	v5 =	vld.idx.msk [tilespmem:v5+s2+$0x0], $0xffff  }
0xcc: {  	v18 =	vld.idx.msk [tilespmem:v18+s2+$0x0], $0xffff  }
0xcd: {  	v0 =	vor.u32 v23, v8;
	v8 =	vld.idx.msk [tilespmem:v11+s2+$0x0], $0xffff  }
0xce: {  	v12 =	vld.idx.msk [tilespmem:v13+s2+$0x0], $0xffff  }
0xcf: {  	v15 =	vld.idx.msk [tilespmem:v48+s2+$0x0], $0xffff  }
0xd0: {  	v13 =	vor.u32 v23, v53;
	v1 =	vld.idx.msk [tilespmem:v1+s2+$0x0], $0xffff;
	[tilespmem:v50+s9+$0x0] =	vst.idx.msk $0xffff, v5  }
0xd1: {  	[tilespmem:v17+s9+$0x0] =	vst.idx.msk $0xffff, v18;
	v17 =	vld.idx.msk [tilespmem:v41+s2+$0x0], $0xffff;
	v18 =	vor.u32 v2, v37  }
0xd2: {  	[tilespmem:v0+s9+$0x0] =	vst.idx.msk $0xffff, v8  }
0xd3: {  	v6 =	vor.u32 $0x60, v14;
	[tilespmem:v3+s9+$0x0] =	vst.idx.msk $0xffff, v12  }
0xd4: {  	v14 =	vor.u32 v6, v19;
	v11 =	vor.u32 $0x60, v16;
	[tilespmem:v35+s9+$0x0] =	vst.idx.msk $0xffff, v15  }
0xd5: {  	v7 =	vor.u32 v11, v19;
	[tilespmem:v13+s9+$0x0] =	vst.idx.msk $0xffff, v1  }
0xd6: {  	[tilespmem:v18+s9+$0x0] =	vst.idx.msk $0xffff, v17  }
0xd7: {  	v17 =	vld [tilespmem:$0x1FFB0]  }
0xd8: {  	v16 =	vor.u32 v27, v19  }
0xd9: {  	v0 =	vld.idx.msk [tilespmem:v14+s2+$0x0], $0xffff  }
0xda: {  	v6 =	vor.u32 v23, v6;
	v5 =	vor.u32 $0x70, v4;
	v4 =	vor.u32 $0x70, v43;
	v7 =	vld.idx.msk [tilespmem:v7+s2+$0x0], $0xffff  }
0xdb: {  	v11 =	vor.u32 v23, v11;
	v3 =	vor.u32 $0x70, v9;
	v8 =	vor.u32 v4, v19;
	v1 =	vld.idx.msk [tilespmem:v36+s2+$0x0], $0xffff  }
0xdc: {  	v9 =	vor.u32 $0x70, v10;
	v10 =	vor.u32 v5, v19;
	v2 =	vor.u32 v2, v17;
	v17 =	vld [tilespmem:$0x1FFC0]  }
0xdd: {  	v12 =	vor.u32 v23, v27;
	v13 =	vor.u32 v9, v19;
	v14 =	vld.idx.msk [tilespmem:v16+s2+$0x0], $0xffff  }
0xde: {  	v16 =	vor.u32 v3, v19  }
0xdf: {  	v15 =	vld.idx.msk [tilespmem:v31+s2+$0x0], $0xffff;
	[tilespmem:v6+s9+$0x0] =	vst.idx.msk $0xffff, v0  }
0xe0: {  	v0 =	vor.u32 v4, v23;
	[tilespmem:v11+s9+$0x0] =	vst.idx.msk $0xffff, v7;
	v4 =	vld.idx.msk [tilespmem:v8+s2+$0x0], $0xffff  }
0xe1: {  	v5 =	vor.u32 v23, v5;
	[tilespmem:v28+s9+$0x0] =	vst.idx.msk $0xffff, v1;
	v6 =	vld.idx.msk [tilespmem:v10+s2+$0x0], $0xffff  }
0xe2: {  	v1 =	vor.u32 v23, v9;
	[tilespmem:v12+s9+$0x0] =	vst.idx.msk $0xffff, v14;
	v7 =	vld.idx.msk [tilespmem:v13+s2+$0x0], $0xffff  }
0xe3: {  	v3 =	vor.u32 v23, v3;
	v8 =	vld.idx.msk [tilespmem:v16+s2+$0x0], $0xffff  }
0xe4: {  	[tilespmem:v26+s9+$0x0] =	vst.idx.msk $0xffff, v15;
	v17 =	vld.idx.msk [tilespmem:v17+s2+$0x0], $0xffff  }
0xe5: {  	[tilespmem:v0+s9+$0x0] =	vst.idx.msk $0xffff, v4  }
0xe6: {  	[tilespmem:v5+s9+$0x0] =	vst.idx.msk $0xffff, v6  }
0xe7: {  	[tilespmem:v1+s9+$0x0] =	vst.idx.msk $0xffff, v7  }
0xe8: {  	s14 =	sshll.u32 s13, $0xD;
	[tilespmem:v3+s9+$0x0] =	vst.idx.msk $0xffff, v8  }
0xe9: {  	s14 =	sadd.s32 s14, s5;
	[tilespmem:v2+s9+$0x0] =	vst.idx.msk $0xffff, v17  }
0xea: {  	[hbm4b:s14+s2] =	stream.linear.scatter [tilespmem:s9], [sflag:$0x1], $0x8000, $0x38;
	[tilespmem:$0x18800] =	vst v63  }
0xeb: {  	s14 =	sor.u32 $0x1, s16  }
0xec: {  	s17 =	simm.s32 $0x0;
	s15 =	sshll.u32 s14, $0x8  }
0xed: {  	s18 =	sand.u32 $0xC, s17;
	s16 =	simm.s32 @!p0 $0x1;
	s15 =	sand.u32 $0x3FFFFF00, s15  }
0xee: {  	s19 =	sand.u32 $0x80, s17;
	_ =	swait.ge @!p0 [sflag:s16], $0x8000;
	s15 =	sadd.s32 $0x800, s15  }
0xef: {  	s17 =	sand.u32 $0x70, s17;
	[sflag:s16] =	ssyncset.done @!p0 $0x0;
	s19 =	sadd.s32 s19, s15  }
0xf0: {  	[sflag:s16] =	ssyncadd.s32 @!p0 $0xFFFF8000;
	s22 =	sadd.s32 s17, s19  }
0xf1: {  	v0 =	vld [tilespmem:s22+$0x0];
	_ =	sdelay $0x2  }
0xf2: {  	s20 =	sor.u32 $0x3, s18;
	v38 =	vlaneseq.u32  }
0xf3: {  	s23 =	sor.u32 $0x2, s18;
	v36 =	vadd.s32 s18, v38;
	s18 =	sor.u32 $0x1, s18;
	v7 =	vadd.s32 s20, v38  }
0xf4: {  	v32 =	vadd.s32 s18, v38;
	v1 =	vand.u32 $0xF, v7;
	v49 =	vld [tilespmem:$0x1FFF0];
	v0 =	vshll.u32 v0, $0x7  }
0xf5: {  	v58 =	vand.u32 $0xF, v32;
	v17 =	vor.u32 v1, v0  }
0xf6: {  	v19 =	vor.u32 v58, v0  }
0xf7: {  	s24 =	simm.s32 $0x0;
	v46 =	vand.u32 $0xF, v36;
	v16 =	vadd.s32 s23, v38  }
0xf8: {  	v13 =	vor.u32 $0x30, v32;
	v3 =	vand.u32 $0xF, v16;
	v5 =	vor.u32 $0x10, v32;
	s16 =	sand.u32 $0x7800, s24  }
0xf9: {  	v8 =	vor.u32 $0x20, v46;
	v2 =	vor.u32 s16, v49;
	v24 =	vor.u32 v46, v0  }
0xfa: {  	v50 =	vor.u32 $0x10, v7;
	v31 =	vor.u32 v2, v1;
	v30 =	vor.u32 v3, v0;
	v17 =	vld.idx.msk [tilespmem:v17+s2+$0x0], $0xffff  }
0xfb: {  	v10 =	vor.u32 $0x20, v1;
	v12 =	vor.u32 $0x40, v1;
	v15 =	vor.u32 v2, v58;
	v19 =	vld.idx.msk [tilespmem:v19+s2+$0x0], $0xffff  }
0xfc: {  	v22 =	vor.u32 v46, v2;
	v26 =	vor.u32 v2, v8;
	v53 =	vor.u32 v50, v0  }
0xfd: {  	v29 =	vor.u32 v2, v13;
	v40 =	vor.u32 v2, v12;
	v51 =	vor.u32 v10, v0  }
0xfe: {  	v52 =	vor.u32 v5, v0;
	v54 =	vor.u32 v8, v0;
	v8 =	vld.idx.msk [tilespmem:v24+s2+$0x0], $0xffff;
	v24 =	vor.u32 v2, v10  }
0xff: {  	v10 =	vld.idx.msk [tilespmem:v30+s2+$0x0], $0xffff;
	v30 =	vor.u32 v13, v0;
	v13 =	vor.u32 $0x60, v3;
	[tilespmem:v31+s10+$0x0] =	vst.idx.msk $0xffff, v17  }
0x100: {  	v31 =	vor.u32 v12, v0;
	[tilespmem:v15+s10+$0x0] =	vst.idx.msk $0xffff, v19;
	v12 =	vor.u32 v13, v0  }
0x101: {  	v18 =	vor.u32 v2, v3;
	v17 =	vld.idx.msk [tilespmem:v53+s2+$0x0], $0xffff;
	[tilespmem:$0x1FE40] =	vst v12;
	v12 =	vor.u32 v2, v13  }
0x102: {  	v11 =	vor.u32 $0x10, v36;
	v33 =	vor.u32 v2, v50;
	[tilespmem:$0x1FE50] =	vst v12  }
0x103: {  	v23 =	vor.u32 v11, v0;
	v5 =	vor.u32 v2, v5;
	v15 =	vor.u32 $0x50, v36;
	v13 =	vld.idx.msk [tilespmem:v52+s2+$0x0], $0xffff  }
0x104: {  	v35 =	vor.u32 $0x60, v1;
	v1 =	vor.u32 v15, v2;
	[tilespmem:v22+s10+$0x0] =	vst.idx.msk $0xffff, v8  }
0x105: {  	v6 =	vor.u32 $0x20, v58;
	v25 =	vor.u32 v11, v2;
	[tilespmem:$0x1FE60] =	vst v1  }
0x106: {  	v21 =	vor.u32 $0x10, v16;
	v28 =	vor.u32 v2, v6;
	v6 =	vor.u32 v6, v0;
	[tilespmem:v18+s10+$0x0] =	vst.idx.msk $0xffff, v10  }
0x107: {  	v62 =	vor.u32 $0x40, v3;
	v11 =	vor.u32 v21, v0;
	v12 =	vor.u32 v15, v0;
	[tilespmem:v33+s10+$0x0] =	vst.idx.msk $0xffff, v17  }
0x108: {  	v1 =	vor.u32 v2, v62;
	v15 =	vld.idx.msk [tilespmem:v23+s2+$0x0], $0xffff;
	v23 =	vor.u32 $0x50, v16;
	[tilespmem:v5+s10+$0x0] =	vst.idx.msk $0xffff, v13  }
0x109: {  	v4 =	vor.u32 $0x30, v7;
	v34 =	vld.idx.msk [tilespmem:v51+s2+$0x0], $0xffff;
	[tilespmem:$0x1FEE0] =	vst v1;
	v1 =	vor.u32 v2, v23  }
0x10a: {  	v55 =	vor.u32 v4, v0;
	v10 =	vor.u32 $0x50, v32;
	[tilespmem:$0x1FE70] =	vst v1  }
0x10b: {  	v22 =	vor.u32 $0x30, v36;
	v1 =	vor.u32 v10, v0;
	v6 =	vld.idx.msk [tilespmem:v6+s2+$0x0], $0xffff  }
0x10c: {  	s16 =	simm.s32 $0x4;
	v63 =	vor.u32 v22, v0;
	v47 =	vor.u32 v22, v2;
	v22 =	vld.idx.msk [tilespmem:v11+s2+$0x0], $0xffff;
	[tilespmem:$0x1FED0] =	vst v1  }
0x10d: {  	v9 =	vor.u32 $0x20, v3;
	s28 =	sand.u32 $0x80, s16;
	v21 =	vor.u32 v2, v21;
	[tilespmem:v25+s10+$0x0] =	vst.idx.msk $0xffff, v15  }
0x10e: {  	v20 =	vor.u32 v2, v9;
	s29 =	sand.u32 $0x70, s16;
	s18 =	sadd.s32 s28, s15;
	[tilespmem:v24+s10+$0x0] =	vst.idx.msk $0xffff, v34;
	v39 =	vld.idx.msk [tilespmem:v54+s2+$0x0], $0xffff  }
0x10f: {  	s18 =	sadd.s32 s29, s18;
	v9 =	vor.u32 v9, v0;
	v4 =	vor.u32 v2, v4;
	v1 =	vor.u32 v23, v0;
	v24 =	vld.idx.msk [tilespmem:v55+s2+$0x0], $0xffff  }
0x110: {  	v25 =	vld [tilespmem:s18+$0x0];
	[tilespmem:$0x1FEF0] =	vst v1  }
0x111: {  	v14 =	vor.u32 $0x40, v58;
	v61 =	vor.u32 $0x30, v16;
	s25 =	sand.u32 $0xC, s16;
	[tilespmem:v28+s10+$0x0] =	vst.idx.msk $0xffff, v6  }
0x112: {  	v44 =	vor.u32 $0x40, v46;
	s26 =	sor.u32 $0x3, s25;
	v60 =	vor.u32 v14, v0;
	v43 =	vor.u32 v61, v0;
	[tilespmem:v21+s10+$0x0] =	vst.idx.msk $0xffff, v22  }
0x113: {  	v37 =	vor.u32 v44, v0;
	v19 =	vor.u32 $0x50, v7;
	v8 =	vadd.s32 s26, v38;
	v22 =	vld.idx.msk [tilespmem:v30+s2+$0x0], $0xffff;
	[tilespmem:v26+s10+$0x0] =	vst.idx.msk $0xffff, v39  }
0x114: {  	v57 =	vand.u32 $0xF, v8;
	v51 =	vor.u32 v19, v0;
	v1 =	vor.u32 $0x70, v7;
	v28 =	vld.idx.msk [tilespmem:v9+s2+$0x0], $0xffff;
	[tilespmem:v4+s10+$0x0] =	vst.idx.msk $0xffff, v24  }
0x115: {  	v13 =	vor.u32 v2, v19;
	v19 =	vshll.u32 v25, $0x7;
	[tilespmem:$0x1FE80] =	vst v1;
	v1 =	vor.u32 v1, v0  }
0x116: {  	s17 =	sor.u32 $0x1, s25;
	v50 =	vor.u32 v2, v14;
	v3 =	vadd.s32 s25, v38;
	v39 =	vor.u32 v57, v19;
	[tilespmem:$0x1FE90] =	vst v1  }
0x117: {  	v14 =	vand.u32 $0xF, v3;
	v17 =	vadd.s32 s17, v38;
	s17 =	simm.s32 $0x200;
	v34 =	vor.u32 v2, v44;
	v33 =	vld.idx.msk [tilespmem:v63+s2+$0x0], $0xffff  }
0x118: {  	s31 =	sand.u32 $0x7800, s17;
	v44 =	vor.u32 $0x70, v16;
	v16 =	vld.idx.msk [tilespmem:v31+s2+$0x0], $0xffff;
	[tilespmem:v29+s10+$0x0] =	vst.idx.msk $0xffff, v22;
	v29 =	vor.u32 v14, v19  }
0x119: {  	v30 =	vor.u32 $0x20, v14;
	v22 =	vor.u32 s31, v49;
	[tilespmem:v20+s10+$0x0] =	vst.idx.msk $0xffff, v28;
	v42 =	vld.idx.msk [tilespmem:v60+s2+$0x0], $0xffff  }
0x11a: {  	v43 =	vld.idx.msk [tilespmem:v43+s2+$0x0], $0xffff;
	v1 =	vor.u32 v22, v30  }
0x11b: {  	v27 =	vor.u32 v2, v61;
	v39 =	vld.idx.msk [tilespmem:v39+s2+$0x0], $0xffff;
	[tilespmem:$0x1FEA0] =	vst v1  }
0x11c: {  	s30 =	sor.u32 $0x2, s25;
	v5 =	vor.u32 v2, v10;
	v60 =	vor.u32 v22, v57;
	[tilespmem:v47+s10+$0x0] =	vst.idx.msk $0xffff, v33  }
0x11d: {  	v10 =	vadd.s32 s30, v38;
	v55 =	vor.u32 v14, v22;
	[tilespmem:v40+s10+$0x0] =	vst.idx.msk $0xffff, v16;
	v40 =	vor.u32 $0x30, v17;
	v29 =	vld.idx.msk [tilespmem:v29+s2+$0x0], $0xffff  }
0x11e: {  	v18 =	vand.u32 $0xF, v10;
	v1 =	vor.u32 v22, v40;
	[tilespmem:v50+s10+$0x0] =	vst.idx.msk $0xffff, v42  }
0x11f: {  	v15 =	vand.u32 $0xF, v17;
	v33 =	vor.u32 v18, v19;
	[tilespmem:$0x1FEB0] =	vst v1  }
0x120: {  	v42 =	vor.u32 v15, v19;
	[tilespmem:v27+s10+$0x0] =	vst.idx.msk $0xffff, v43  }
0x121: {  	v56 =	vor.u32 $0x40, v57;
	[tilespmem:v60+s10+$0x0] =	vst.idx.msk $0xffff, v39  }
0x122: {  	v6 =	vor.u32 $0x10, v17;
	v1 =	vor.u32 v22, v56;
	[tilespmem:v55+s10+$0x0] =	vst.idx.msk $0xffff, v29  }
0x123: {  	v38 =	vor.u32 v6, v19;
	v50 =	vor.u32 v22, v6;
	v6 =	vld.idx.msk [tilespmem:v37+s2+$0x0], $0xffff;
	[tilespmem:$0x1FEC0] =	vst v1  }
0x124: {  	v48 =	vor.u32 v62, v0;
	v62 =	vor.u32 v22, v18;
	v39 =	vld.idx.msk [tilespmem:v33+s2+$0x0], $0xffff  }
0x125: {  	v26 =	vor.u32 $0x10, v3;
	v9 =	vor.u32 v22, v15;
	v1 =	vld.idx.msk [tilespmem:v42+s2+$0x0], $0xffff;
	_ =	sdelay $0x1  }
0x126: {  	v63 =	vor.u32 v26, v19;
	v16 =	vor.u32 $0x10, v8  }
0x127: {  	v54 =	vor.u32 v26, v22;
	v26 =	vmov v3;
	v37 =	vor.u32 v16, v19;
	v3 =	vld [tilespmem:$0x1FED0];
	[tilespmem:v34+s10+$0x0] =	vst.idx.msk $0xffff, v6  }
0x128: {  	[tilespmem:v62+s10+$0x0] =	vst.idx.msk $0xffff, v39  }
0x129: {  	[tilespmem:v9+s10+$0x0] =	vst.idx.msk $0xffff, v1  }
0x12a: {  	v1 =	vld [tilespmem:$0x1FEE0]  }
0x12b: {  	v53 =	vor.u32 $0x60, v18  }
0x12c: {  	v27 =	vor.u32 v22, v16;
	v29 =	vor.u32 v22, v53;
	v34 =	vor.u32 v53, v19;
	v53 =	vld.idx.msk [tilespmem:v37+s2+$0x0], $0xffff  }
0x12d: {  	v42 =	vor.u32 v40, v19;
	v40 =	vld.idx.msk [tilespmem:v48+s2+$0x0], $0xffff  }
0x12e: {  	v46 =	vor.u32 $0x60, v46  }
0x12f: {  	v36 =	vor.u32 $0x70, v36;
	v52 =	vor.u32 $0x20, v57;
	v11 =	vor.u32 $0x30, v8  }
0x130: {  	v23 =	vor.u32 v35, v0;
	v61 =	vor.u32 $0x10, v10;
	v45 =	vor.u32 $0x20, v18  }
0x131: {  	v41 =	vor.u32 $0x20, v15;
	v25 =	vor.u32 $0x40, v15;
	v24 =	vor.u32 v2, v44;
	[tilespmem:v27+s10+$0x0] =	vst.idx.msk $0xffff, v53  }
0x132: {  	v4 =	vor.u32 v61, v19;
	v47 =	vor.u32 v22, v61;
	v61 =	vld.idx.msk [tilespmem:v3+s2+$0x0], $0xffff;
	[tilespmem:v1+s10+$0x0] =	vst.idx.msk $0xffff, v40  }
0x133: {  	v59 =	vor.u32 v52, v19;
	v20 =	vor.u32 v22, v45;
	v28 =	vor.u32 v22, v41;
	v3 =	vld [tilespmem:$0x1FEF0]  }
0x134: {  	v52 =	vor.u32 v22, v52;
	v45 =	vor.u32 v45, v19;
	v60 =	vor.u32 v30, v19  }
0x135: {  	v43 =	vor.u32 v11, v19;
	v30 =	vor.u32 v25, v19;
	v55 =	vor.u32 v41, v19  }
0x136: {  	v41 =	vor.u32 v2, v35;
	v35 =	vor.u32 $0x70, v32;
	v32 =	vor.u32 v44, v0;
	v44 =	vld.idx.msk [tilespmem:v63+s2+$0x0], $0xffff  }
0x137: {  	v33 =	vor.u32 v56, v19;
	v56 =	vor.u32 $0x30, v10;
	v48 =	vor.u32 $0x50, v26;
	v6 =	vld.idx.msk [tilespmem:v12+s2+$0x0], $0xffff  }
0x138: {  	v37 =	vor.u32 v56, v19;
	v39 =	vor.u32 v35, v0;
	v62 =	vld.idx.msk [tilespmem:v51+s2+$0x0], $0xffff;
	v51 =	vor.u32 v36, v0  }
0x139: {  	v36 =	vor.u32 v36, v2;
	v9 =	vor.u32 $0x60, v58;
	v58 =	vor.u32 v46, v0;
	v4 =	vld.idx.msk [tilespmem:v4+s2+$0x0], $0xffff  }
0x13a: {  	v21 =	vmovc v49;
	v38 =	vld.idx.msk [tilespmem:v38+s2+$0x0], $0xffff;
	v53 =	vor.u32 $0x50, v8;
	v27 =	vor.u32 $0x60, v57;
	v63 =	vor.u32 v2, v9  }
0x13b: {  	v1 =	vor.u32 v2, v46;
	v40 =	vor.u32 v9, v0;
	v0 =	vor.u32 v48, v22;
	v57 =	vld.idx.msk [tilespmem:v3+s2+$0x0], $0xffff  }
.LBB2_5:
0x13c: {  	v7 =	vmov v14  }
0x13d: {  	[tilespmem:$0x1FDD0] =	vst v7;
	v7 =	vld [tilespmem:$0x1FE60];
	_ =	sdelay $0x6  }
0x13e: {  	[tilespmem:v54+s10+$0x0] =	vst.idx.msk $0xffff, v44  }
0x13f: {  	v9 =	vmov v2;
	v2 =	vmov v22;
	v22 =	vld.idx.msk [tilespmem:v60+s2+$0x0], $0xffff;
	[tilespmem:v7+s10+$0x0] =	vst.idx.msk $0xffff, v6;
	v7 =	vmov v0  }
0x140: {  	[tilespmem:$0x1FE60] =	vst v7;
	v7 =	vld [tilespmem:$0x1FE70];
	_ =	sdelay $0x7  }
0x141: {  	[tilespmem:v7+s10+$0x0] =	vst.idx.msk $0xffff, v57;
	v7 =	vld [tilespmem:$0x1FE40]  }
0x142: {  	s16 =	sadd.s32 $0x4, s16;
	[tilespmem:v5+s10+$0x0] =	vst.idx.msk $0xffff, v61;
	v5 =	vlaneseq.u32  }
0x143: {  	v16 =	vor.u32 v48, v19;
	v59 =	vld.idx.msk [tilespmem:v59+s2+$0x0], $0xffff;
	s18 =	sand.u32 $0xC, s16;
	v60 =	vor.u32 $0x50, v10;
	[tilespmem:v13+s10+$0x0] =	vst.idx.msk $0xffff, v62  }
0x144: {  	v3 =	vmov v15;
	s21 =	sor.u32 $0x3, s18;
	s30 =	sor.u32 $0x1, s18;
	v15 =	vor.u32 v2, v60;
	v48 =	vadd.s32 s18, v5;
	s18 =	sor.u32 $0x2, s18;
	v6 =	vld.idx.msk [tilespmem:v40+s2+$0x0], $0xffff;
	[tilespmem:v50+s10+$0x0] =	vst.idx.msk $0xffff, v38  }
0x145: {  	v62 =	vadd.s32 s30, v5;
	v40 =	vadd.s32 s21, v5;
	v38 =	vld.idx.msk [tilespmem:v55+s2+$0x0], $0xffff;
	v55 =	vadd.s32 s18, v5;
	v5 =	vmovc v15  }
0x146: {  	[tilespmem:$0x1FE70] =	vst v5;
	v5 =	vld [tilespmem:$0x1FE50]  }
0x147: {  	v13 =	vld.idx.msk [tilespmem:v23+s2+$0x0], $0xffff  }
0x148: {  	[tilespmem:$0x1FDE0] =	vst v16  }
0x149: {  	[tilespmem:$0x1FDF0] =	vst v3;
	v3 =	vor.u32 v2, v56;
	v16 =	vor.u32 v2, v25;
	v25 =	vld.idx.msk [tilespmem:v7+s2+$0x0], $0xffff  }
0x14a: {  	[tilespmem:$0x1FDC0] =	vst v3  }
0x14b: {  	v44 =	vor.u32 $0x30, v26;
	v12 =	vmovc v24;
	v24 =	vor.u32 $0x40, v18;
	v46 =	vmov v19;
	[tilespmem:v52+s10+$0x0] =	vst.idx.msk $0xffff, v59  }
0x14c: {  	v56 =	vor.u32 v24, v46;
	v3 =	vor.u32 v2, v24;
	v24 =	vld.idx.msk [tilespmem:v43+s2+$0x0], $0xffff;
	[tilespmem:v41+s10+$0x0] =	vst.idx.msk $0xffff, v13  }
0x14d: {  	v49 =	vor.u32 v44, v19;
	v19 =	vld.idx.msk [tilespmem:v58+s2+$0x0], $0xffff;
	[tilespmem:v47+s10+$0x0] =	vst.idx.msk $0xffff, v4  }
0x14e: {  	v13 =	vld.idx.msk [tilespmem:v45+s2+$0x0], $0xffff;
	[tilespmem:v5+s10+$0x0] =	vst.idx.msk $0xffff, v25;
	v5 =	vmov v29  }
0x14f: {  	[tilespmem:$0x1FE50] =	vst v5;
	v5 =	vld [tilespmem:$0x1FEA0]  }
0x150: {  	s19 =	sand.u32 $0x80, s16  }
0x151: {  	s20 =	sand.u32 $0x70, s16;
	s19 =	sadd.s32 s19, s15  }
0x152: {  	s19 =	sadd.s32 s20, s19  }
0x153: {  	v50 =	vor.u32 v2, v11;
	v52 =	vld [tilespmem:s19+$0x0];
	[tilespmem:v63+s10+$0x0] =	vst.idx.msk $0xffff, v6  }
0x154: {  	[tilespmem:v1+s10+$0x0] =	vst.idx.msk $0xffff, v19;
	v1 =	vor.u32 v60, v46;
	v19 =	vld.idx.msk [tilespmem:v39+s2+$0x0], $0xffff  }
0x155: {  	v31 =	vor.u32 v9, v35;
	[tilespmem:$0x1FE30] =	vst v1;
	v1 =	vor.u32 v2, v53;
	v7 =	vld [tilespmem:$0x1FE90]  }
0x156: {  	[tilespmem:$0x1FE20] =	vst v1;
	v1 =	vld.idx.msk [tilespmem:v51+s2+$0x0], $0xffff  }
0x157: {  	[tilespmem:v5+s10+$0x0] =	vst.idx.msk $0xffff, v22;
	v5 =	vld [tilespmem:$0x1FE80]  }
0x158: {  	v23 =	vld [tilespmem:$0x1FEC0];
	[tilespmem:v50+s10+$0x0] =	vst.idx.msk $0xffff, v24  }
0x159: {  	[tilespmem:v28+s10+$0x0] =	vst.idx.msk $0xffff, v38;
	v33 =	vld.idx.msk [tilespmem:v33+s2+$0x0], $0xffff  }
0x15a: {  	v42 =	vld.idx.msk [tilespmem:v42+s2+$0x0], $0xffff;
	[tilespmem:v31+s10+$0x0] =	vst.idx.msk $0xffff, v19  }
0x15b: {  	v28 =	vld.idx.msk [tilespmem:v32+s2+$0x0], $0xffff;
	[tilespmem:v20+s10+$0x0] =	vst.idx.msk $0xffff, v13  }
0x15c: {  	v37 =	vld.idx.msk [tilespmem:v37+s2+$0x0], $0xffff;
	[tilespmem:v36+s10+$0x0] =	vst.idx.msk $0xffff, v1;
	v9 =	vor.u32 v9, v5;
	v5 =	vor.u32 $0x70, v8  }
0x15d: {  	v54 =	vor.u32 $0x40, v14;
	s17 =	sadd.s32 $0x200, s17;
	v44 =	vor.u32 v44, v2;
	v32 =	vld.idx.msk [tilespmem:v7+s2+$0x0], $0xffff;
	[tilespmem:$0x1FE80] =	vst v5;
	v5 =	vor.u32 v5, v46  }
0x15e: {  	s31 =	sand.u32 $0x7800, s17;
	v14 =	vand.u32 $0xF, v48;
	v58 =	vand.u32 $0xF, v40;
	v19 =	vshll.u32 v52, $0x7;
	[tilespmem:$0x1FE90] =	vst v5;
	v5 =	vld [tilespmem:$0x1FEB0]  }
0x15f: {  	[tilespmem:$0x1FE10] =	vst v3;
	v35 =	vor.u32 $0x20, v14;
	v45 =	vor.u32 v58, v19;
	v22 =	vor.u32 s31, v21;
	v36 =	vld.idx.msk [tilespmem:v49+s2+$0x0], $0xffff  }
0x160: {  	[tilespmem:v12+s10+$0x0] =	vst.idx.msk $0xffff, v28;
	v12 =	vor.u32 v14, v19;
	v1 =	vor.u32 $0x30, v62;
	v7 =	vor.u32 v22, v35  }
0x161: {  	[tilespmem:$0x1FEA0] =	vst v7;
	v7 =	vor.u32 v22, v1  }
0x162: {  	v61 =	vor.u32 v54, v46;
	v6 =	vor.u32 $0x10, v62;
	v38 =	vor.u32 v53, v46;
	[tilespmem:$0x1FEB0] =	vst v7  }
0x163: {  	v0 =	vor.u32 $0x50, v17;
	v51 =	vor.u32 $0x40, v58;
	v31 =	vmovc v26;
	v20 =	vor.u32 v6, v19;
	[tilespmem:v9+s10+$0x0] =	vst.idx.msk $0xffff, v32  }
0x164: {  	v50 =	vor.u32 v22, v6;
	v7 =	vor.u32 v22, v58;
	[tilespmem:v44+s10+$0x0] =	vst.idx.msk $0xffff, v36;
	v6 =	vld.idx.msk [tilespmem:v45+s2+$0x0], $0xffff  }
0x165: {  	v26 =	vmov v17;
	v17 =	vor.u32 v14, v22;
	v8 =	vor.u32 $0x10, v48;
	v12 =	vld.idx.msk [tilespmem:v12+s2+$0x0], $0xffff;
	[tilespmem:v23+s10+$0x0] =	vst.idx.msk $0xffff, v33  }
0x166: {  	v23 =	vor.u32 v22, v51;
	[tilespmem:v5+s10+$0x0] =	vst.idx.msk $0xffff, v42;
	v5 =	vor.u32 v8, v19  }
0x167: {  	v3 =	vor.u32 v2, v0;
	v53 =	vor.u32 v2, v54;
	[tilespmem:$0x1FEC0] =	vst v23;
	v23 =	vld.idx.msk [tilespmem:v61+s2+$0x0], $0xffff  }
0x168: {  	v0 =	vor.u32 v0, v46;
	v15 =	vand.u32 $0xF, v62;
	[tilespmem:$0x1FE00] =	vst v3;
	v30 =	vld.idx.msk [tilespmem:v30+s2+$0x0], $0xffff  }
0x169: {  	v3 =	vor.u32 $0x30, v40;
	v18 =	vand.u32 $0xF, v55;
	v4 =	vmovc v34;
	v54 =	vor.u32 v8, v22;
	[tilespmem:v7+s10+$0x0] =	vst.idx.msk $0xffff, v6  }
0x16a: {  	v32 =	vor.u32 v15, v19;
	[tilespmem:v17+s10+$0x0] =	vst.idx.msk $0xffff, v12;
	v17 =	vmov v62;
	v8 =	vmov v40;
	v62 =	vld.idx.msk [tilespmem:v38+s2+$0x0], $0xffff  }
0x16b: {  	[tilespmem:$0x1FE40] =	vst v4;
	v4 =	vor.u32 v27, v46;
	v40 =	vor.u32 v18, v19;
	v60 =	vor.u32 $0x10, v8;
	v44 =	vld.idx.msk [tilespmem:v5+s2+$0x0], $0xffff  }
0x16c: {  	v36 =	vor.u32 v60, v19;
	[tilespmem:v53+s10+$0x0] =	vst.idx.msk $0xffff, v23;
	v23 =	vmov v4;
	v4 =	vld [tilespmem:$0x1FDD0]  }
0x16d: {  	[tilespmem:v16+s10+$0x0] =	vst.idx.msk $0xffff, v30;
	v30 =	vld [tilespmem:$0x1FDC0]  }
0x16e: {  	v61 =	vld.idx.msk [tilespmem:v0+s2+$0x0], $0xffff  }
0x16f: {  	v41 =	vor.u32 $0x20, v58;
	v63 =	vor.u32 $0x70, v10;
	v49 =	vor.u32 v22, v15;
	v0 =	vld.idx.msk [tilespmem:v32+s2+$0x0], $0xffff  }
0x170: {  	v43 =	vor.u32 $0x10, v55;
	v39 =	vor.u32 $0x20, v18;
	v57 =	vor.u32 v2, v63;
	v16 =	vld.idx.msk [tilespmem:v40+s2+$0x0], $0xffff  }
0x171: {  	v59 =	vor.u32 v41, v19;
	v42 =	vor.u32 v1, v19;
	v1 =	vor.u32 $0x70, v31;
	v12 =	vld.idx.msk [tilespmem:v36+s2+$0x0], $0xffff  }
0x172: {  	v33 =	vor.u32 v51, v19;
	v51 =	vor.u32 v1, v46;
	v36 =	vor.u32 v1, v2;
	v1 =	vld [tilespmem:$0x1FDF0]  }
0x173: {  	v34 =	vor.u32 $0x20, v15;
	v11 =	vor.u32 v22, v39;
	v5 =	vor.u32 $0x60, v4;
	v4 =	vld [tilespmem:$0x1FDE0]  }
0x174: {  	v10 =	vmov v55;
	v55 =	vor.u32 v34, v19;
	v13 =	vor.u32 v22, v18;
	[tilespmem:v49+s10+$0x0] =	vst.idx.msk $0xffff, v0;
	v0 =	vld [tilespmem:$0x1FE10]  }
0x175: {  	v28 =	vor.u32 v22, v34;
	v47 =	vor.u32 v22, v43;
	v52 =	vor.u32 v22, v41;
	v38 =	vld.idx.msk [tilespmem:v20+s2+$0x0], $0xffff  }
0x176: {  	v24 =	vmovc v21;
	v9 =	vor.u32 v43, v19;
	v43 =	vor.u32 v3, v19;
	v20 =	vmovc v11;
	v11 =	vmov v3;
	v3 =	vld [tilespmem:$0x1FE30]  }
0x177: {  	v29 =	vor.u32 $0x60, v18;
	v41 =	vor.u32 v2, v27;
	v21 =	vor.u32 v22, v60;
	[tilespmem:v30+s10+$0x0] =	vst.idx.msk $0xffff, v37  }
0x178: {  	v34 =	vor.u32 v29, v19;
	v29 =	vor.u32 v22, v29;
	v27 =	vor.u32 $0x60, v58;
	v7 =	vld.idx.msk [tilespmem:v56+s2+$0x0], $0xffff  }
0x179: {  	p0 =	slt.u32 s16, $0xFC;
	v45 =	vor.u32 v39, v19;
	v60 =	vor.u32 v35, v19;
	v35 =	vor.u32 $0x70, v26  }
.Ltmp1:
0x17a: {  	v58 =	vor.u32 v5, v46;
	[tilespmem:v13+s10+$0x0] =	vst.idx.msk $0xffff, v16;
	v13 =	vor.u32 $0x60, v1;
	v1 =	vor.u32 v2, v5;
	v5 =	vld [tilespmem:$0x1FE00];
	(pc) =	sbr.rel @p0 .LBB2_5-.Ltmp1, $4  }
0x17b: {  	v26 =	vmovc v48;
	v32 =	vor.u32 v63, v46;
	v40 =	vor.u32 v13, v46;
	v63 =	vor.u32 v2, v13;
	v13 =	vld [tilespmem:$0x1FE20]  }
0x17c: {  	v25 =	vor.u32 $0x40, v15;
	v39 =	vor.u32 v35, v46;
	v48 =	vor.u32 $0x50, v26;
	[tilespmem:v21+s10+$0x0] =	vst.idx.msk $0xffff, v12;
	v6 =	vld.idx.msk [tilespmem:v4+s2+$0x0], $0xffff  }
0x17d: {  	v53 =	vor.u32 $0x50, v8;
	v21 =	vmovc v24;
	v24 =	vmov v57;
	v56 =	vor.u32 $0x30, v10;
	v4 =	vld.idx.msk [tilespmem:v9+s2+$0x0], $0xffff;
	[tilespmem:v0+s10+$0x0] =	vst.idx.msk $0xffff, v7  }
0x17e: {  	v30 =	vor.u32 v25, v19;
	v37 =	vor.u32 v56, v19;
	v0 =	vor.u32 v48, v22;
	v57 =	vld.idx.msk [tilespmem:v3+s2+$0x0], $0xffff  }
0x17f: {  	_ =	sdelay $0x3  }
0x180: {  	[tilespmem:v54+s10+$0x0] =	vst.idx.msk $0xffff, v44  }
0x181: {  	[tilespmem:v5+s10+$0x0] =	vst.idx.msk $0xffff, v61  }
0x182: {  	v5 =	vld [tilespmem:$0x1FE60];
	_ =	sdelay $0x4  }
0x183: {  	[tilespmem:v50+s10+$0x0] =	vst.idx.msk $0xffff, v38  }
0x184: {  	[tilespmem:v13+s10+$0x0] =	vst.idx.msk $0xffff, v62  }
0x185: {  	[tilespmem:v47+s10+$0x0] =	vst.idx.msk $0xffff, v4  }
0x186: {  	v31 =	vld.idx.msk [tilespmem:v59+s2+$0x0], $0xffff;
	[tilespmem:v5+s10+$0x0] =	vst.idx.msk $0xffff, v6  }
0x187: {  	v12 =	vld [tilespmem:$0x1FE70]  }
0x188: {  	v7 =	vld.idx.msk [tilespmem:v55+s2+$0x0], $0xffff  }
0x189: {  	v6 =	vld.idx.msk [tilespmem:v58+s2+$0x0], $0xffff;
	_ =	sdelay $0x2  }
0x18a: {  	[tilespmem:v52+s10+$0x0] =	vst.idx.msk $0xffff, v31  }
0x18b: {  	[tilespmem:v28+s10+$0x0] =	vst.idx.msk $0xffff, v7  }
0x18c: {  	[tilespmem:v1+s10+$0x0] =	vst.idx.msk $0xffff, v6  }
0x18d: {  	v45 =	vld.idx.msk [tilespmem:v45+s2+$0x0], $0xffff;
	[tilespmem:v12+s10+$0x0] =	vst.idx.msk $0xffff, v57  }
0x18e: {  	v3 =	vld [tilespmem:$0x1FEA0]  }
0x18f: {  	v46 =	vld.idx.msk [tilespmem:v40+s2+$0x0], $0xffff  }
0x190: {  	v47 =	vld.idx.msk [tilespmem:v23+s2+$0x0], $0xffff  }
0x191: {  	v9 =	vld.idx.msk [tilespmem:v60+s2+$0x0], $0xffff;
	_ =	sdelay $0x1  }
0x192: {  	[tilespmem:v20+s10+$0x0] =	vst.idx.msk $0xffff, v45  }
0x193: {  	[tilespmem:v63+s10+$0x0] =	vst.idx.msk $0xffff, v46  }
0x194: {  	[tilespmem:v41+s10+$0x0] =	vst.idx.msk $0xffff, v47  }
0x195: {  	[tilespmem:v3+s10+$0x0] =	vst.idx.msk $0xffff, v9  }
0x196: {  	v38 =	vor.u32 $0x30, v26;
	v3 =	vld [tilespmem:$0x1FEB0]  }
0x197: {  	v44 =	vor.u32 v38, v19;
	_ =	sdelay $0x1  }
0x198: {  	v49 =	vld.idx.msk [tilespmem:v42+s2+$0x0], $0xffff;
	_ =	sdelay $0x2  }
0x199: {  	v4 =	vor.u32 v38, v22;
	v9 =	vld.idx.msk [tilespmem:v44+s2+$0x0], $0xffff  }
0x19a: {  	v52 =	vor.u32 v22, v56;
	v55 =	vld.idx.msk [tilespmem:v37+s2+$0x0], $0xffff  }
0x19b: {  	v58 =	vld.idx.msk [tilespmem:v43+s2+$0x0], $0xffff;
	v57 =	vor.u32 v22, v11;
	[tilespmem:v3+s10+$0x0] =	vst.idx.msk $0xffff, v49  }
0x19c: {  	v50 =	vor.u32 $0x40, v14;
	v6 =	vld [tilespmem:$0x1FE40]  }
0x19d: {  	v54 =	vor.u32 $0x40, v18;
	v16 =	vor.u32 v50, v19  }
0x19e: {  	v56 =	vor.u32 v54, v19;
	[tilespmem:v4+s10+$0x0] =	vst.idx.msk $0xffff, v9  }
0x19f: {  	[tilespmem:v52+s10+$0x0] =	vst.idx.msk $0xffff, v55  }
0x1a0: {  	v61 =	vld.idx.msk [tilespmem:v30+s2+$0x0], $0xffff;
	[tilespmem:v57+s10+$0x0] =	vst.idx.msk $0xffff, v58  }
0x1a1: {  	v60 =	vor.u32 v22, v25;
	v11 =	vld [tilespmem:$0x1FE50]  }
0x1a2: {  	v7 =	vor.u32 v22, v50;
	v16 =	vld.idx.msk [tilespmem:v16+s2+$0x0], $0xffff  }
0x1a3: {  	v13 =	vor.u32 v22, v54;
	v1 =	vld.idx.msk [tilespmem:v56+s2+$0x0], $0xffff  }
0x1a4: {  	v6 =	vld.idx.msk [tilespmem:v6+s2+$0x0], $0xffff;
	_ =	sdelay $0x1  }
0x1a5: {  	[tilespmem:v60+s10+$0x0] =	vst.idx.msk $0xffff, v61  }
0x1a6: {  	v63 =	vor.u32 v48, v19;
	[tilespmem:v7+s10+$0x0] =	vst.idx.msk $0xffff, v16  }
0x1a7: {  	v23 =	vmov v17;
	[tilespmem:v13+s10+$0x0] =	vst.idx.msk $0xffff, v1  }
0x1a8: {  	v59 =	vor.u32 $0x50, v23;
	[tilespmem:v11+s10+$0x0] =	vst.idx.msk $0xffff, v6  }
0x1a9: {  	v62 =	vor.u32 v59, v19;
	v20 =	vor.u32 $0x50, v10;
	v16 =	vld [tilespmem:$0x1FEC0]  }
0x1aa: {  	v25 =	vor.u32 v20, v19  }
0x1ab: {  	v37 =	vor.u32 $0x60, v14;
	v38 =	vld.idx.msk [tilespmem:v63+s2+$0x0], $0xffff  }
0x1ac: {  	v42 =	vor.u32 v37, v19;
	v28 =	vld.idx.msk [tilespmem:v33+s2+$0x0], $0xffff  }
0x1ad: {  	v31 =	vor.u32 v53, v19;
	v30 =	vld.idx.msk [tilespmem:v51+s2+$0x0], $0xffff  }
0x1ae: {  	v4 =	vor.u32 v22, v59;
	v33 =	vld.idx.msk [tilespmem:v62+s2+$0x0], $0xffff  }
0x1af: {  	v40 =	vor.u32 v22, v20;
	v5 =	vld.idx.msk [tilespmem:v25+s2+$0x0], $0xffff  }
0x1b0: {  	v41 =	vor.u32 $0x60, v15;
	v47 =	vor.u32 v2, v35;
	v46 =	vld.idx.msk [tilespmem:v39+s2+$0x0], $0xffff;
	[tilespmem:v0+s10+$0x0] =	vst.idx.msk $0xffff, v38  }
0x1b1: {  	v43 =	vor.u32 v41, v19;
	v1 =	vor.u32 v22, v37;
	v49 =	vld.idx.msk [tilespmem:v42+s2+$0x0], $0xffff;
	[tilespmem:v16+s10+$0x0] =	vst.idx.msk $0xffff, v28  }
0x1b2: {  	v44 =	vor.u32 v22, v53;
	[tilespmem:v36+s10+$0x0] =	vst.idx.msk $0xffff, v30;
	v11 =	vld.idx.msk [tilespmem:v31+s2+$0x0], $0xffff  }
0x1b3: {  	[tilespmem:v4+s10+$0x0] =	vst.idx.msk $0xffff, v33  }
0x1b4: {  	v45 =	vor.u32 v27, v19;
	[tilespmem:v40+s10+$0x0] =	vst.idx.msk $0xffff, v5  }
0x1b5: {  	[tilespmem:v47+s10+$0x0] =	vst.idx.msk $0xffff, v46  }
0x1b6: {  	v50 =	vor.u32 $0x70, v23;
	v48 =	vor.u32 $0x70, v26;
	v6 =	vld.idx.msk [tilespmem:v43+s2+$0x0], $0xffff;
	[tilespmem:v1+s10+$0x0] =	vst.idx.msk $0xffff, v49  }
0x1b7: {  	v14 =	vor.u32 v22, v41;
	v51 =	vor.u32 v48, v19;
	v54 =	vld.idx.msk [tilespmem:v34+s2+$0x0], $0xffff;
	[tilespmem:v44+s10+$0x0] =	vst.idx.msk $0xffff, v11  }
0x1b8: {  	v53 =	vor.u32 v50, v19;
	v52 =	vor.u32 $0x70, v10;
	v59 =	vld [tilespmem:$0x1FE90]  }
0x1b9: {  	v8 =	vor.u32 $0x70, v8;
	v55 =	vor.u32 v22, v27;
	v56 =	vor.u32 v52, v19;
	v4 =	vld.idx.msk [tilespmem:v45+s2+$0x0], $0xffff  }
0x1ba: {  	v58 =	vor.u32 v8, v19;
	v57 =	vld.idx.msk [tilespmem:v32+s2+$0x0], $0xffff  }
0x1bb: {  	v1 =	vld [tilespmem:$0x1FE80]  }
0x1bc: {  	v3 =	vor.u32 v48, v22;
	v5 =	vld.idx.msk [tilespmem:v51+s2+$0x0], $0xffff;
	[tilespmem:v14+s10+$0x0] =	vst.idx.msk $0xffff, v6  }
0x1bd: {  	v60 =	vor.u32 v22, v50;
	[tilespmem:v29+s10+$0x0] =	vst.idx.msk $0xffff, v54;
	v6 =	vld.idx.msk [tilespmem:v53+s2+$0x0], $0xffff  }
0x1be: {  	v61 =	vor.u32 v22, v52;
	v62 =	vld.idx.msk [tilespmem:v56+s2+$0x0], $0xffff;
	[tilespmem:v55+s10+$0x0] =	vst.idx.msk $0xffff, v4  }
0x1bf: {  	v63 =	vor.u32 v22, v8;
	v7 =	vld.idx.msk [tilespmem:v58+s2+$0x0], $0xffff  }
0x1c0: {  	s13 =	sadd.s32 $0x1, s13;
	[tilespmem:v24+s10+$0x0] =	vst.idx.msk $0xffff, v57;
	v1 =	vor.u32 v2, v1;
	v2 =	vld.idx.msk [tilespmem:v59+s2+$0x0], $0xffff  }
0x1c1: {  	p0 =	sne.s32 s13, $0x40;
	[tilespmem:v3+s10+$0x0] =	vst.idx.msk $0xffff, v5  }
.Ltmp2:
0x1c2: {  	[tilespmem:v60+s10+$0x0] =	vst.idx.msk $0xffff, v6;
	(pc) =	sbr.rel @p0 .LBB2_2-.Ltmp2, $4  }
0x1c3: {  	[tilespmem:v61+s10+$0x0] =	vst.idx.msk $0xffff, v62  }
0x1c4: {  	s14 =	sshll.u32 s14, $0xC;
	[tilespmem:v63+s10+$0x0] =	vst.idx.msk $0xffff, v7  }
0x1c5: {  	s14 =	sadd.s32 s14, s5;
	[tilespmem:v1+s10+$0x0] =	vst.idx.msk $0xffff, v2  }
0x1c6: {  	v43 =	vlaneseq.u32;
	[hbm4b:s14+s2] =	stream.linear.scatter [tilespmem:s10], [sflag:$0x1], $0x8000, $0x38;
	[tilespmem:$0x18800] =	vst v63  }
0x1c7: {  	s12 =	sadd.s32 $0x1, s12  }
0x1c8: {  	_ =	swait.ge [sflag:s11], $0x8000;
	p0 =	sne.s32 s12, s6  }
.Ltmp3:
0x1c9: {  	[sflag:s11] =	ssyncset.done $0x0;
	(pc) =	sbr.rel @p0 .LBB2_1-.Ltmp3, $4  }
0x1ca: {  	[sflag:s11] =	ssyncadd.s32 $0xFFFF8000  }
0x1cb: {  	_ =	swait.ge [sflag:s11], $0x8000  }
0x1cc: {  	[sflag:s11] =	ssyncset.done $0x0  }
0x1cd: {  	[sflag:s11] =	ssyncadd.s32 $0xFFFF8000  }
0x1ce: {  	_ =	sfence.sel $0x180000  }
0x1cf: {  	[bflag:$0x0] =	sbarrier.arrive $0xFFFF  }
0x1d0: {  	p0 =	sne.s32 s1, $0x0;
	_ =	strace $0x90000047  }
0x1d1: {  	s0 =	sadd.s32 @!p0 $0x100000, s0;
	[bflag:$0x2] =	sbarrier.arrive $0xFFFF  }
0x1d2: {  	[sflag:s0] =	ssyncadd.tile.s32 @!p0 $0x1;
	_ =	shalt  }
.Lfunc_end2:
_tile_overlayer_lowered:
.L_overlay_start_2:
0x1d3: {  	(tag) =	ssettag $0x2  }
0x1d4: {  	s0 =	rddreg [dreg:$0x0];
	s2 =	stileid.u32  }
0x1d5: {  	s1 =	rddreg [dreg:$0x1];
	p0 =	sne.s32 s2, $0x0  }
0x1d6: {  	s3 =	rddreg [dreg:$0x2];
	[bflag:$0x3] =	sbarrier.arrive $0xFFFF;
	s2 =	simm.s32 @!p0 $0x1C02  }
0x1d7: {  	[timem:s3], [sflag:s2] =	dma.local @!p0 [hbm:s0], s1  }
0x1d8: {  	s0 =	simm.s32 @!p0 $0x2  }
0x1d9: {  	_ =	swait.ge @!p0 [sflag:s0], s1  }
0x1da: {  	s1 =	ssub.s32 @!p0 $0x0, s1;
	[sflag:s0] =	ssyncset.done @!p0 $0x0  }
0x1db: {  	[sflag:s0] =	ssyncadd.s32 @!p0 s1  }
0x1dc: {  	[bflag:$0x3] =	sbarrier.arrive $0xFFFF  }
0x1dd: {  	_ =	shalt  }

</sc_bundles>
